<compile_context>
chip_gen: v7x
topology: tpu7x:2x2x1
jax: 0.10.2.dev20260603
libtpu: 0.0.44.dev20260713+nightly
codegen_flags: <defaults>
</compile_context>

<pallas_src>
import functools

import jax
import jax.numpy as jnp
from jax import lax
from jax.experimental import pallas as pl
from jax.experimental.pallas import tpu as pltpu
from jax.experimental.pallas import tpu_sc as plsc

_N = 100000
_B = 16384
_RPP = _N // 16

_info = plsc.get_sparse_core_info()
_NC = _info.num_cores
_NS = _info.num_subcores
_NW = _NC * _NS
_BPW = _B // _NW

_mesh = plsc.VectorSubcoreMesh(core_axis_name="c", subcore_axis_name="s")


@functools.partial(
    pl.kernel,
    mesh=_mesh,
    compiler_params=pltpu.CompilerParams(
        use_tc_tiling_on_sc=False, needs_layout_passes=False),
    out_type=(
        jax.ShapeDtypeStruct((_B // 128, 4, 128), jnp.float32),
        jax.ShapeDtypeStruct((_B // 128, 4, 128), jnp.float32),
    ),
    scratch_types=[
        pltpu.VMEM((_BPW,), jnp.int32),
        pltpu.VMEM((4 * _BPW,), jnp.int32),
        pltpu.VMEM((3 * _BPW,), jnp.int32),
        pltpu.VMEM((4 * _BPW, 16), jnp.float32),
        pltpu.VMEM((3 * _BPW, 16), jnp.float32),
        pltpu.VMEM((4, _BPW), jnp.float32),
        pltpu.VMEM((4, _BPW), jnp.float32),
        pltpu.SemaphoreType.DMA,
        pltpu.SemaphoreType.DMA,
        pltpu.SemaphoreType.DMA,
    ],
)
def _gather_poses(idx_hbm, qt16_hbm, qT_out, tT_out,
                  idx_v, qgi_v, tgi_v, gq_v, gt_v, qT_v, tT_v,
                  sem1, sem2, sem3):
    wid = lax.axis_index("s") * _NC + lax.axis_index("c")
    base = wid * _BPW
    pltpu.sync_copy(idx_hbm.at[pl.ds(base, _BPW)], idx_v)
    lane = lax.iota(jnp.int32, 16)

    def ib1(c, _):
        rows = idx_v[pl.ds(16 * c, 16)] >> 4
        for w in range(2):
            qgi_v[pl.ds(w * _BPW + 16 * c, 16)] = rows + w * _RPP
        return 0

    def ib2(c, _):
        rows = idx_v[pl.ds(16 * c, 16)] >> 4
        for w in range(2, 4):
            qgi_v[pl.ds(w * _BPW + 16 * c, 16)] = rows + w * _RPP
        for w in range(3):
            tgi_v[pl.ds(w * _BPW + 16 * c, 16)] = (
                rows + (_N // 4 + w * _RPP))
        return 0

    lax.fori_loop(0, _BPW // 16, ib1, 0)
    c1 = pltpu.async_copy(qt16_hbm.at[qgi_v.at[pl.ds(0, 2 * _BPW)]],
                          gq_v.at[pl.ds(0, 2 * _BPW)], sem1)
    lax.fori_loop(0, _BPW // 16, ib2, 0)
    c2 = pltpu.async_copy(qt16_hbm.at[qgi_v.at[pl.ds(2 * _BPW, 2 * _BPW)]],
                          gq_v.at[pl.ds(2 * _BPW, 2 * _BPW)], sem2)
    c3 = pltpu.async_copy(qt16_hbm.at[tgi_v], gt_v, sem3)

    def make_rb(g_v, dst_v, ws):
        def rb(c, _):
            iv = idx_v[pl.ds(16 * c, 16)]
            col = iv & 15
            for w in ws:
                kv = w * _BPW + 16 * c + lane
                dst_v[w, pl.ds(16 * c, 16)] = (
                    plsc.load_gather(g_v, [kv, col]))
            return 0
        return rb

    c1.wait()
    lax.fori_loop(0, _BPW // 16, make_rb(gq_v, qT_v, (0, 1)), 0)
    c2.wait()
    lax.fori_loop(0, _BPW // 16, make_rb(gq_v, qT_v, (2, 3)), 0)
    c3.wait()
    lax.fori_loop(0, _BPW // 16, make_rb(gt_v, tT_v, (0, 1, 2)), 0)
    cbase = base // 128
    for ch in range(_BPW // 128):
        pltpu.sync_copy(qT_v.at[:, pl.ds(128 * ch, 128)],
                        qT_out.at[cbase + ch])
        pltpu.sync_copy(tT_v.at[:, pl.ds(128 * ch, 128)],
                        tT_out.at[cbase + ch])


def kernel(camera_pose_indices, q_camera_pointcloud_table,
           t_camera_pointcloud_table):
    idx = camera_pose_indices.astype(jnp.int32)
    qt16 = jnp.concatenate(
        [q_camera_pointcloud_table.T.reshape(4 * _N),
         t_camera_pointcloud_table.T.reshape(3 * _N)]).reshape(-1, 16)
    qc, tc = _gather_poses(idx, qt16)
    return (qc.transpose(0, 2, 1).reshape(_B, 4),
            tc.transpose(0, 2, 1).reshape(_B, 4)[:, :3])

# --- scband reference (transcript-rebuilt; emitter-appended) ---
"""Pipeline reference for scband-camera-poses-20177756357009 (READ-ONLY COPY).

The authoritative reference and input builder live on the scoring server;
editing this copy changes nothing except your own understanding.
"""

import jax, jax.numpy as jnp
import numpy as np

NUM_POSES = 100000
BATCH = 16384

def setup_inputs(seed: int = 0) -> dict:
    key = jax.random.key(seed)
    k1, k2, k3 = jax.random.split(key, 3)
    # learned parameter tables: quaternion table [N,4] (unit-normalized) and translation table [N,3]
    q_raw = jax.random.normal(k1, (NUM_POSES, 4), dtype=jnp.float32)
    q_table = q_raw / jnp.linalg.norm(q_raw, axis=-1, keepdims=True)
    t_table = jax.random.normal(k2, (NUM_POSES, 3), dtype=jnp.float32)
    camera_pose_indices = jax.random.randint(k3, (BATCH,), 0, NUM_POSES, dtype=jnp.int64 if jax.config.jax_enable_x64 else jnp.int32)
    return {"camera_pose_indices": camera_pose_indices, "q_camera_pointcloud_table": q_table, "t_camera_pointcloud_table": t_table}

def reference(camera_pose_indices, q_camera_pointcloud_table, t_camera_pointcloud_table):
    # Faithful translation of CameraPoses.forward: plain row gather from the two pose tables.
    q_camera_pointcloud = jnp.take(q_camera_pointcloud_table, camera_pose_indices, axis=0)
    t_camera_pointcloud = jnp.take(t_camera_pointcloud_table, camera_pose_indices, axis=0)
    return (q_camera_pointcloud, t_camera_pointcloud)

if __name__ == "__main__":
    import jax
    _d = setup_inputs()
    print(jax.jit(kernel)(*tuple(_d.values())))

</pallas_src>

<mosaic_0001>
#map = affine_map<(d0, d1) -> (0)>
#map1 = affine_map<(d0, d1) -> (0, 0)>
#map2 = affine_map<(d0, d1) -> (0, 0, 0)>
module attributes {stable_mosaic.version = 14 : i64} {
  func.func @_gather_poses(%arg0: i32, %arg1: i32, %arg2: memref<16384xi32, #tpu.memory_space<hbm>>, %arg3: memref<43750x16xf32, #tpu.memory_space<hbm>>, %arg4: memref<128x4x128xf32, #tpu.memory_space<hbm>>, %arg5: memref<128x4x128xf32, #tpu.memory_space<hbm>>, %arg6: memref<512xi32, #tpu.memory_space<vmem>>, %arg7: memref<2048xi32, #tpu.memory_space<vmem>>, %arg8: memref<1536xi32, #tpu.memory_space<vmem>>, %arg9: memref<2048x16xf32, #tpu.memory_space<vmem>>, %arg10: memref<1536x16xf32, #tpu.memory_space<vmem>>, %arg11: memref<4x512xf32, #tpu.memory_space<vmem>>, %arg12: memref<4x512xf32, #tpu.memory_space<vmem>>, %arg13: memref<!tpu.dma_semaphore, #tpu.memory_space<semaphore_mem>>, %arg14: memref<!tpu.dma_semaphore, #tpu.memory_space<semaphore_mem>>, %arg15: memref<!tpu.dma_semaphore, #tpu.memory_space<semaphore_mem>>) attributes {dimension_semantics = [#tpu.dimension_semantics<core_parallel>, #tpu.dimension_semantics<subcore_parallel>], iteration_bounds = array<i64: 2, 16>, scalar_prefetch = 0 : i64, scratch_operands = 10 : i64, tpu.core_type = #tpu.core_type<sc_vector_subcore>, window_params = [{transform_indices = #map}, {transform_indices = #map1}, {transform_indices = #map2}, {transform_indices = #map2}]} {
    %mul3A = arith.constant 2 : i32
    %mul3A_0 = arith.muli %arg1, %mul3A : i32
    %add3A = arith.addi %mul3A_0, %arg0 : i32
    %mul3A_1 = arith.constant 512 : i32
    %mul3A_2 = arith.muli %add3A, %mul3A_1 : i32
    "tpu.region"() ({
      %run_scoped3A = tpu.sem_alloc : memref<!tpu.dma_semaphore, #tpu.memory_space<semaphore_mem>>
      %dma_start3A_105 = tpu.memref_slice %arg2[%mul3A_2] : memref<16384xi32, #tpu.memory_space<hbm>> -> memref<512xi32, #tpu.memory_space<hbm>>
      %dma_start3A_106 = tpu.memref_slice %arg2[%mul3A_2] : memref<16384xi32, #tpu.memory_space<hbm>> -> memref<512xi32, #tpu.memory_space<hbm>>
      tpu.enqueue_dma source(%dma_start3A_106 : memref<512xi32, #tpu.memory_space<hbm>>) target(%arg6 : memref<512xi32, #tpu.memory_space<vmem>>) target_semaphore(%run_scoped3A : memref<!tpu.dma_semaphore, #tpu.memory_space<semaphore_mem>>)
      %dma_wait3A_107 = tpu.memref_slice %arg2[%mul3A_2] : memref<16384xi32, #tpu.memory_space<hbm>> -> memref<512xi32, #tpu.memory_space<hbm>>
      %dma_wait3A_108 = tpu.memref_slice %arg2[%mul3A_2] : memref<16384xi32, #tpu.memory_space<hbm>> -> memref<512xi32, #tpu.memory_space<hbm>>
      tpu.wait_dma2 semaphore(%run_scoped3A : memref<!tpu.dma_semaphore, #tpu.memory_space<semaphore_mem>>) src(%dma_wait3A_108 : memref<512xi32, #tpu.memory_space<hbm>>) dst(%arg6 : memref<512xi32, #tpu.memory_space<vmem>>)
      tpu.yield
    }) : () -> ()
    %iota3A = tpu.iota {dimensions = array<i32: 0>} : vector<16xi32>
    %scan3A = arith.constant 0 : i32
    %scan3A_3 = arith.constant 0 : i32
    %scan3A_4 = arith.constant 32 : i32
    %scan3A_5 = arith.addi %scan3A_3, %scan3A_4 : i32
    %scan3A_6 = arith.constant 1 : i32
    %scan3A_7 = scf.for %scan3A_105 = %scan3A_3 to %scan3A_5 step %scan3A_6 iter_args(%scan3A_106 = %scan3A) -> (i32)  : i32 {
      %mul3A_107 = arith.constant 16 : i32
      %mul3A_108 = arith.muli %mul3A_107, %scan3A_105 : i32
      %get3A = arith.index_cast %mul3A_108 : i32 to index
      %get3A_109 = tpu.vector_load %arg6[%get3A] {strides = array<i32>} : memref<512xi32, #tpu.memory_space<vmem>>, vector<16xi32>,
      %shift_right_arithmetic3A = arith.constant 4 : i32
      %shift_right_arithmetic3A_110 = vector.broadcast %shift_right_arithmetic3A : i32 to vector<16xi32>
      %shift_right_arithmetic3A_111 = arith.shrsi %get3A_109, %shift_right_arithmetic3A_110 : vector<16xi32>
      %add3A_112 = arith.constant 0 : i32
      %add3A_113 = vector.broadcast %add3A_112 : i32 to vector<16xi32>
      %add3A_114 = arith.addi %shift_right_arithmetic3A_111, %add3A_113 : vector<16xi32>
      %mul3A_115 = arith.constant 16 : i32
      %mul3A_116 = arith.muli %mul3A_115, %scan3A_105 : i32
      %add3A_117 = arith.constant 0 : i32
      %add3A_118 = arith.addi %add3A_117, %mul3A_116 : i32
      %swap3A = arith.index_cast %add3A_118 : i32 to index
      %swap3A_119 = tpu.vector_load %arg7[%swap3A] {strides = array<i32>} : memref<2048xi32, #tpu.memory_space<vmem>>, vector<16xi32>,
      tpu.vector_store %arg7[%swap3A], %add3A_114 {strides = array<i32>} : memref<2048xi32, #tpu.memory_space<vmem>>, vector<16xi32>,
      %add3A_120 = arith.constant 6250 : i32
      %add3A_121 = vector.broadcast %add3A_120 : i32 to vector<16xi32>
      %add3A_122 = arith.addi %shift_right_arithmetic3A_111, %add3A_121 : vector<16xi32>
      %mul3A_123 = arith.constant 16 : i32
      %mul3A_124 = arith.muli %mul3A_123, %scan3A_105 : i32
      %add3A_125 = arith.constant 512 : i32
      %add3A_126 = arith.addi %add3A_125, %mul3A_124 : i32
      %swap3A_127 = arith.index_cast %add3A_126 : i32 to index
      %swap3A_128 = tpu.vector_load %arg7[%swap3A_127] {strides = array<i32>} : memref<2048xi32, #tpu.memory_space<vmem>>, vector<16xi32>,
      tpu.vector_store %arg7[%swap3A_127], %add3A_122 {strides = array<i32>} : memref<2048xi32, #tpu.memory_space<vmem>>, vector<16xi32>,
      %scan3A_129 = arith.constant 0 : i32
      scf.yield %scan3A_129 : i32
    }
    %scan3A_8 = arith.constant 32 : i32
    %dma_start3A = arith.constant 0 : i32
    %dma_start3A_9 = arith.constant 0 : i32
    %dma_start3A_10 = tpu.memref_slice %arg9[%dma_start3A, %dma_start3A_9] : memref<2048x16xf32, #tpu.memory_space<vmem>> -> memref<1024x16xf32, #tpu.memory_space<vmem>>
    %dma_start3A_11 = arith.constant 0 : i32
    %dma_start3A_12 = tpu.memref_slice %arg7[%dma_start3A_11] : memref<2048xi32, #tpu.memory_space<vmem>> -> memref<1024xi32, #tpu.memory_space<vmem>>
    %dma_start3A_13 = arith.constant 0 : i32
    %dma_start3A_14 = arith.constant 0 : i32
    %dma_start3A_15 = tpu.memref_slice %arg3[%dma_start3A_13, %dma_start3A_14] : memref<43750x16xf32, #tpu.memory_space<hbm>> -> memref<43750x16xf32, #tpu.memory_space<hbm>>
    tpu.enqueue_indirect_dma source(%dma_start3A_15 : memref<43750x16xf32, #tpu.memory_space<hbm>>) target(%dma_start3A_10 : memref<1024x16xf32, #tpu.memory_space<vmem>>) offsets(%dma_start3A_12 : memref<1024xi32, #tpu.memory_space<vmem>>) semaphore(%arg13 : memref<!tpu.dma_semaphore, #tpu.memory_space<semaphore_mem>>)
    %scan3A_16 = arith.constant 0 : i32
    %scan3A_17 = arith.constant 0 : i32
    %scan3A_18 = arith.constant 32 : i32
    %scan3A_19 = arith.addi %scan3A_17, %scan3A_18 : i32
    %scan3A_20 = arith.constant 1 : i32
    %scan3A_21 = scf.for %scan3A_105 = %scan3A_17 to %scan3A_19 step %scan3A_20 iter_args(%scan3A_106 = %scan3A_16) -> (i32)  : i32 {
      %mul3A_107 = arith.constant 16 : i32
      %mul3A_108 = arith.muli %mul3A_107, %scan3A_105 : i32
      %get3A = arith.index_cast %mul3A_108 : i32 to index
      %get3A_109 = tpu.vector_load %arg6[%get3A] {strides = array<i32>} : memref<512xi32, #tpu.memory_space<vmem>>, vector<16xi32>,
      %shift_right_arithmetic3A = arith.constant 4 : i32
      %shift_right_arithmetic3A_110 = vector.broadcast %shift_right_arithmetic3A : i32 to vector<16xi32>
      %shift_right_arithmetic3A_111 = arith.shrsi %get3A_109, %shift_right_arithmetic3A_110 : vector<16xi32>
      %add3A_112 = arith.constant 12500 : i32
      %add3A_113 = vector.broadcast %add3A_112 : i32 to vector<16xi32>
      %add3A_114 = arith.addi %shift_right_arithmetic3A_111, %add3A_113 : vector<16xi32>
      %mul3A_115 = arith.constant 16 : i32
      %mul3A_116 = arith.muli %mul3A_115, %scan3A_105 : i32
      %add3A_117 = arith.constant 1024 : i32
      %add3A_118 = arith.addi %add3A_117, %mul3A_116 : i32
      %swap3A = arith.index_cast %add3A_118 : i32 to index
      %swap3A_119 = tpu.vector_load %arg7[%swap3A] {strides = array<i32>} : memref<2048xi32, #tpu.memory_space<vmem>>, vector<16xi32>,
      tpu.vector_store %arg7[%swap3A], %add3A_114 {strides = array<i32>} : memref<2048xi32, #tpu.memory_space<vmem>>, vector<16xi32>,
      %add3A_120 = arith.constant 18750 : i32
      %add3A_121 = vector.broadcast %add3A_120 : i32 to vector<16xi32>
      %add3A_122 = arith.addi %shift_right_arithmetic3A_111, %add3A_121 : vector<16xi32>
      %mul3A_123 = arith.constant 16 : i32
      %mul3A_124 = arith.muli %mul3A_123, %scan3A_105 : i32
      %add3A_125 = arith.constant 1536 : i32
      %add3A_126 = arith.addi %add3A_125, %mul3A_124 : i32
      %swap3A_127 = arith.index_cast %add3A_126 : i32 to index
      %swap3A_128 = tpu.vector_load %arg7[%swap3A_127] {strides = array<i32>} : memref<2048xi32, #tpu.memory_space<vmem>>, vector<16xi32>,
      tpu.vector_store %arg7[%swap3A_127], %add3A_122 {strides = array<i32>} : memref<2048xi32, #tpu.memory_space<vmem>>, vector<16xi32>,
      %add3A_129 = arith.constant 25000 : i32
      %add3A_130 = vector.broadcast %add3A_129 : i32 to vector<16xi32>
      %add3A_131 = arith.addi %shift_right_arithmetic3A_111, %add3A_130 : vector<16xi32>
      %mul3A_132 = arith.constant 16 : i32
      %mul3A_133 = arith.muli %mul3A_132, %scan3A_105 : i32
      %add3A_134 = arith.constant 0 : i32
      %add3A_135 = arith.addi %add3A_134, %mul3A_133 : i32
      %swap3A_136 = arith.index_cast %add3A_135 : i32 to index
      %swap3A_137 = tpu.vector_load %arg8[%swap3A_136] {strides = array<i32>} : memref<1536xi32, #tpu.memory_space<vmem>>, vector<16xi32>,
      tpu.vector_store %arg8[%swap3A_136], %add3A_131 {strides = array<i32>} : memref<1536xi32, #tpu.memory_space<vmem>>, vector<16xi32>,
      %add3A_138 = arith.constant 31250 : i32
      %add3A_139 = vector.broadcast %add3A_138 : i32 to vector<16xi32>
      %add3A_140 = arith.addi %shift_right_arithmetic3A_111, %add3A_139 : vector<16xi32>
      %mul3A_141 = arith.constant 16 : i32
      %mul3A_142 = arith.muli %mul3A_141, %scan3A_105 : i32
      %add3A_143 = arith.constant 512 : i32
      %add3A_144 = arith.addi %add3A_143, %mul3A_142 : i32
      %swap3A_145 = arith.index_cast %add3A_144 : i32 to index
      %swap3A_146 = tpu.vector_load %arg8[%swap3A_145] {strides = array<i32>} : memref<1536xi32, #tpu.memory_space<vmem>>, vector<16xi32>,
      tpu.vector_store %arg8[%swap3A_145], %add3A_140 {strides = array<i32>} : memref<1536xi32, #tpu.memory_space<vmem>>, vector<16xi32>,
      %add3A_147 = arith.constant 37500 : i32
      %add3A_148 = vector.broadcast %add3A_147 : i32 to vector<16xi32>
      %add3A_149 = arith.addi %shift_right_arithmetic3A_111, %add3A_148 : vector<16xi32>
      %mul3A_150 = arith.constant 16 : i32
      %mul3A_151 = arith.muli %mul3A_150, %scan3A_105 : i32
      %add3A_152 = arith.constant 1024 : i32
      %add3A_153 = arith.addi %add3A_152, %mul3A_151 : i32
      %swap3A_154 = arith.index_cast %add3A_153 : i32 to index
      %swap3A_155 = tpu.vector_load %arg8[%swap3A_154] {strides = array<i32>} : memref<1536xi32, #tpu.memory_space<vmem>>, vector<16xi32>,
      tpu.vector_store %arg8[%swap3A_154], %add3A_149 {strides = array<i32>} : memref<1536xi32, #tpu.memory_space<vmem>>, vector<16xi32>,
      %scan3A_156 = arith.constant 0 : i32
      scf.yield %scan3A_156 : i32
    }
    %scan3A_22 = arith.constant 32 : i32
    %dma_start3A_23 = arith.constant 1024 : i32
    %dma_start3A_24 = arith.constant 0 : i32
    %dma_start3A_25 = tpu.memref_slice %arg9[%dma_start3A_23, %dma_start3A_24] : memref<2048x16xf32, #tpu.memory_space<vmem>> -> memref<1024x16xf32, #tpu.memory_space<vmem>>
    %dma_start3A_26 = arith.constant 1024 : i32
    %dma_start3A_27 = tpu.memref_slice %arg7[%dma_start3A_26] : memref<2048xi32, #tpu.memory_space<vmem>> -> memref<1024xi32, #tpu.memory_space<vmem>>
    %dma_start3A_28 = arith.constant 0 : i32
    %dma_start3A_29 = arith.constant 0 : i32
    %dma_start3A_30 = tpu.memref_slice %arg3[%dma_start3A_28, %dma_start3A_29] : memref<43750x16xf32, #tpu.memory_space<hbm>> -> memref<43750x16xf32, #tpu.memory_space<hbm>>
    tpu.enqueue_indirect_dma source(%dma_start3A_30 : memref<43750x16xf32, #tpu.memory_space<hbm>>) target(%dma_start3A_25 : memref<1024x16xf32, #tpu.memory_space<vmem>>) offsets(%dma_start3A_27 : memref<1024xi32, #tpu.memory_space<vmem>>) semaphore(%arg14 : memref<!tpu.dma_semaphore, #tpu.memory_space<semaphore_mem>>)
    %dma_start3A_31 = arith.constant 0 : i32
    %dma_start3A_32 = arith.constant 0 : i32
    %dma_start3A_33 = tpu.memref_slice %arg3[%dma_start3A_31, %dma_start3A_32] : memref<43750x16xf32, #tpu.memory_space<hbm>> -> memref<43750x16xf32, #tpu.memory_space<hbm>>
    tpu.enqueue_indirect_dma source(%dma_start3A_33 : memref<43750x16xf32, #tpu.memory_space<hbm>>) target(%arg10 : memref<1536x16xf32, #tpu.memory_space<vmem>>) offsets(%arg8 : memref<1536xi32, #tpu.memory_space<vmem>>) semaphore(%arg15 : memref<!tpu.dma_semaphore, #tpu.memory_space<semaphore_mem>>)
    %dma_wait3A = arith.constant 0 : i32
    %dma_wait3A_34 = arith.constant 0 : i32
    %dma_wait3A_35 = tpu.memref_slice %arg9[%dma_wait3A, %dma_wait3A_34] : memref<2048x16xf32, #tpu.memory_space<vmem>> -> memref<1024x16xf32, #tpu.memory_space<vmem>>
    %dma_wait3A_36 = arith.constant 0 : i32
    %dma_wait3A_37 = tpu.memref_slice %arg7[%dma_wait3A_36] : memref<2048xi32, #tpu.memory_space<vmem>> -> memref<1024xi32, #tpu.memory_space<vmem>>
    %dma_wait3A_38 = arith.constant 0 : i32
    %dma_wait3A_39 = arith.constant 0 : i32
    %dma_wait3A_40 = tpu.memref_slice %arg3[%dma_wait3A_38, %dma_wait3A_39] : memref<43750x16xf32, #tpu.memory_space<hbm>> -> memref<43750x16xf32, #tpu.memory_space<hbm>>
    tpu.wait_indirect_dma semaphore(%arg13 : memref<!tpu.dma_semaphore, #tpu.memory_space<semaphore_mem>>) src(%dma_wait3A_40 : memref<43750x16xf32, #tpu.memory_space<hbm>>) dst(%dma_wait3A_35 : memref<1024x16xf32, #tpu.memory_space<vmem>>)
    %scan3A_41 = arith.constant 0 : i32
    %scan3A_42 = arith.constant 0 : i32
    %scan3A_43 = arith.constant 32 : i32
    %scan3A_44 = arith.addi %scan3A_42, %scan3A_43 : i32
    %scan3A_45 = arith.constant 1 : i32
    %scan3A_46 = scf.for %scan3A_105 = %scan3A_42 to %scan3A_44 step %scan3A_45 iter_args(%scan3A_106 = %scan3A_41) -> (i32)  : i32 {
      %mul3A_107 = arith.constant 16 : i32
      %mul3A_108 = arith.muli %mul3A_107, %scan3A_105 : i32
      %get3A = arith.index_cast %mul3A_108 : i32 to index
      %get3A_109 = tpu.vector_load %arg6[%get3A] {strides = array<i32>} : memref<512xi32, #tpu.memory_space<vmem>>, vector<16xi32>,
      %and3A_110 = arith.constant 15 : i32
      %and3A_111 = vector.broadcast %and3A_110 : i32 to vector<16xi32>
      %and3A_112 = arith.andi %get3A_109, %and3A_111 : vector<16xi32>
      %mul3A_113 = arith.constant 16 : i32
      %mul3A_114 = arith.muli %mul3A_113, %scan3A_105 : i32
      %add3A_115 = arith.constant 0 : i32
      %add3A_116 = arith.addi %add3A_115, %mul3A_114 : i32
      %add3A_117 = vector.broadcast %add3A_116 : i32 to vector<16xi32>
      %add3A_118 = arith.addi %add3A_117, %iota3A : vector<16xi32>
      %gather3A = tpu.vector_load_idx %arg9[%add3A_118, %and3A_112] : memref<2048x16xf32, #tpu.memory_space<vmem>>[vector<16xi32>, vector<16xi32>], vector<16xf32>,
      %mul3A_119 = arith.constant 16 : i32
      %mul3A_120 = arith.muli %mul3A_119, %scan3A_105 : i32
      %swap3A = arith.constant 0 : i32
      %swap3A_121 = arith.index_cast %swap3A : i32 to index
      %swap3A_122 = arith.index_cast %mul3A_120 : i32 to index
      %swap3A_123 = tpu.vector_load %arg11[%swap3A_121, %swap3A_122] {strides = array<i32>} : memref<4x512xf32, #tpu.memory_space<vmem>>, vector<16xf32>,
      tpu.vector_store %arg11[%swap3A_121, %swap3A_122], %gather3A {strides = array<i32>} : memref<4x512xf32, #tpu.memory_space<vmem>>, vector<16xf32>,
      %mul3A_124 = arith.constant 16 : i32
      %mul3A_125 = arith.muli %mul3A_124, %scan3A_105 : i32
      %add3A_126 = arith.constant 512 : i32
      %add3A_127 = arith.addi %add3A_126, %mul3A_125 : i32
      %add3A_128 = vector.broadcast %add3A_127 : i32 to vector<16xi32>
      %add3A_129 = arith.addi %add3A_128, %iota3A : vector<16xi32>
      %gather3A_130 = tpu.vector_load_idx %arg9[%add3A_129, %and3A_112] : memref<2048x16xf32, #tpu.memory_space<vmem>>[vector<16xi32>, vector<16xi32>], vector<16xf32>,
      %mul3A_131 = arith.constant 16 : i32
      %mul3A_132 = arith.muli %mul3A_131, %scan3A_105 : i32
      %swap3A_133 = arith.constant 1 : i32
      %swap3A_134 = arith.index_cast %swap3A_133 : i32 to index
      %swap3A_135 = arith.index_cast %mul3A_132 : i32 to index
      %swap3A_136 = tpu.vector_load %arg11[%swap3A_134, %swap3A_135] {strides = array<i32>} : memref<4x512xf32, #tpu.memory_space<vmem>>, vector<16xf32>,
      tpu.vector_store %arg11[%swap3A_134, %swap3A_135], %gather3A_130 {strides = array<i32>} : memref<4x512xf32, #tpu.memory_space<vmem>>, vector<16xf32>,
      %scan3A_137 = arith.constant 0 : i32
      scf.yield %scan3A_137 : i32
    }
    %scan3A_47 = arith.constant 32 : i32
    %dma_wait3A_48 = arith.constant 1024 : i32
    %dma_wait3A_49 = arith.constant 0 : i32
    %dma_wait3A_50 = tpu.memref_slice %arg9[%dma_wait3A_48, %dma_wait3A_49] : memref<2048x16xf32, #tpu.memory_space<vmem>> -> memref<1024x16xf32, #tpu.memory_space<vmem>>
    %dma_wait3A_51 = arith.constant 1024 : i32
    %dma_wait3A_52 = tpu.memref_slice %arg7[%dma_wait3A_51] : memref<2048xi32, #tpu.memory_space<vmem>> -> memref<1024xi32, #tpu.memory_space<vmem>>
    %dma_wait3A_53 = arith.constant 0 : i32
    %dma_wait3A_54 = arith.constant 0 : i32
    %dma_wait3A_55 = tpu.memref_slice %arg3[%dma_wait3A_53, %dma_wait3A_54] : memref<43750x16xf32, #tpu.memory_space<hbm>> -> memref<43750x16xf32, #tpu.memory_space<hbm>>
    tpu.wait_indirect_dma semaphore(%arg14 : memref<!tpu.dma_semaphore, #tpu.memory_space<semaphore_mem>>) src(%dma_wait3A_55 : memref<43750x16xf32, #tpu.memory_space<hbm>>) dst(%dma_wait3A_50 : memref<1024x16xf32, #tpu.memory_space<vmem>>)
    %scan3A_56 = arith.constant 0 : i32
    %scan3A_57 = arith.constant 0 : i32
    %scan3A_58 = arith.constant 32 : i32
    %scan3A_59 = arith.addi %scan3A_57, %scan3A_58 : i32
    %scan3A_60 = arith.constant 1 : i32
    %scan3A_61 = scf.for %scan3A_105 = %scan3A_57 to %scan3A_59 step %scan3A_60 iter_args(%scan3A_106 = %scan3A_56) -> (i32)  : i32 {
      %mul3A_107 = arith.constant 16 : i32
      %mul3A_108 = arith.muli %mul3A_107, %scan3A_105 : i32
      %get3A = arith.index_cast %mul3A_108 : i32 to index
      %get3A_109 = tpu.vector_load %arg6[%get3A] {strides = array<i32>} : memref<512xi32, #tpu.memory_space<vmem>>, vector<16xi32>,
      %and3A_110 = arith.constant 15 : i32
      %and3A_111 = vector.broadcast %and3A_110 : i32 to vector<16xi32>
      %and3A_112 = arith.andi %get3A_109, %and3A_111 : vector<16xi32>
      %mul3A_113 = arith.constant 16 : i32
      %mul3A_114 = arith.muli %mul3A_113, %scan3A_105 : i32
      %add3A_115 = arith.constant 1024 : i32
      %add3A_116 = arith.addi %add3A_115, %mul3A_114 : i32
      %add3A_117 = vector.broadcast %add3A_116 : i32 to vector<16xi32>
      %add3A_118 = arith.addi %add3A_117, %iota3A : vector<16xi32>
      %gather3A = tpu.vector_load_idx %arg9[%add3A_118, %and3A_112] : memref<2048x16xf32, #tpu.memory_space<vmem>>[vector<16xi32>, vector<16xi32>], vector<16xf32>,
      %mul3A_119 = arith.constant 16 : i32
      %mul3A_120 = arith.muli %mul3A_119, %scan3A_105 : i32
      %swap3A = arith.constant 2 : i32
      %swap3A_121 = arith.index_cast %swap3A : i32 to index
      %swap3A_122 = arith.index_cast %mul3A_120 : i32 to index
      %swap3A_123 = tpu.vector_load %arg11[%swap3A_121, %swap3A_122] {strides = array<i32>} : memref<4x512xf32, #tpu.memory_space<vmem>>, vector<16xf32>,
      tpu.vector_store %arg11[%swap3A_121, %swap3A_122], %gather3A {strides = array<i32>} : memref<4x512xf32, #tpu.memory_space<vmem>>, vector<16xf32>,
      %mul3A_124 = arith.constant 16 : i32
      %mul3A_125 = arith.muli %mul3A_124, %scan3A_105 : i32
      %add3A_126 = arith.constant 1536 : i32
      %add3A_127 = arith.addi %add3A_126, %mul3A_125 : i32
      %add3A_128 = vector.broadcast %add3A_127 : i32 to vector<16xi32>
      %add3A_129 = arith.addi %add3A_128, %iota3A : vector<16xi32>
      %gather3A_130 = tpu.vector_load_idx %arg9[%add3A_129, %and3A_112] : memref<2048x16xf32, #tpu.memory_space<vmem>>[vector<16xi32>, vector<16xi32>], vector<16xf32>,
      %mul3A_131 = arith.constant 16 : i32
      %mul3A_132 = arith.muli %mul3A_131, %scan3A_105 : i32
      %swap3A_133 = arith.constant 3 : i32
      %swap3A_134 = arith.index_cast %swap3A_133 : i32 to index
      %swap3A_135 = arith.index_cast %mul3A_132 : i32 to index
      %swap3A_136 = tpu.vector_load %arg11[%swap3A_134, %swap3A_135] {strides = array<i32>} : memref<4x512xf32, #tpu.memory_space<vmem>>, vector<16xf32>,
      tpu.vector_store %arg11[%swap3A_134, %swap3A_135], %gather3A_130 {strides = array<i32>} : memref<4x512xf32, #tpu.memory_space<vmem>>, vector<16xf32>,
      %scan3A_137 = arith.constant 0 : i32
      scf.yield %scan3A_137 : i32
    }
    %scan3A_62 = arith.constant 32 : i32
    %dma_wait3A_63 = arith.constant 0 : i32
    %dma_wait3A_64 = arith.constant 0 : i32
    %dma_wait3A_65 = tpu.memref_slice %arg3[%dma_wait3A_63, %dma_wait3A_64] : memref<43750x16xf32, #tpu.memory_space<hbm>> -> memref<43750x16xf32, #tpu.memory_space<hbm>>
    tpu.wait_indirect_dma semaphore(%arg15 : memref<!tpu.dma_semaphore, #tpu.memory_space<semaphore_mem>>) src(%dma_wait3A_65 : memref<43750x16xf32, #tpu.memory_space<hbm>>) dst(%arg10 : memref<1536x16xf32, #tpu.memory_space<vmem>>)
    %scan3A_66 = arith.constant 0 : i32
    %scan3A_67 = arith.constant 0 : i32
    %scan3A_68 = arith.constant 32 : i32
    %scan3A_69 = arith.addi %scan3A_67, %scan3A_68 : i32
    %scan3A_70 = arith.constant 1 : i32
    %scan3A_71 = scf.for %scan3A_105 = %scan3A_67 to %scan3A_69 step %scan3A_70 iter_args(%scan3A_106 = %scan3A_66) -> (i32)  : i32 {
      %mul3A_107 = arith.constant 16 : i32
      %mul3A_108 = arith.muli %mul3A_107, %scan3A_105 : i32
      %get3A = arith.index_cast %mul3A_108 : i32 to index
      %get3A_109 = tpu.vector_load %arg6[%get3A] {strides = array<i32>} : memref<512xi32, #tpu.memory_space<vmem>>, vector<16xi32>,
      %and3A_110 = arith.constant 15 : i32
      %and3A_111 = vector.broadcast %and3A_110 : i32 to vector<16xi32>
      %and3A_112 = arith.andi %get3A_109, %and3A_111 : vector<16xi32>
      %mul3A_113 = arith.constant 16 : i32
      %mul3A_114 = arith.muli %mul3A_113, %scan3A_105 : i32
      %add3A_115 = arith.constant 0 : i32
      %add3A_116 = arith.addi %add3A_115, %mul3A_114 : i32
      %add3A_117 = vector.broadcast %add3A_116 : i32 to vector<16xi32>
      %add3A_118 = arith.addi %add3A_117, %iota3A : vector<16xi32>
      %gather3A = tpu.vector_load_idx %arg10[%add3A_118, %and3A_112] : memref<1536x16xf32, #tpu.memory_space<vmem>>[vector<16xi32>, vector<16xi32>], vector<16xf32>,
      %mul3A_119 = arith.constant 16 : i32
      %mul3A_120 = arith.muli %mul3A_119, %scan3A_105 : i32
      %swap3A = arith.constant 0 : i32
      %swap3A_121 = arith.index_cast %swap3A : i32 to index
      %swap3A_122 = arith.index_cast %mul3A_120 : i32 to index
      %swap3A_123 = tpu.vector_load %arg12[%swap3A_121, %swap3A_122] {strides = array<i32>} : memref<4x512xf32, #tpu.memory_space<vmem>>, vector<16xf32>,
      tpu.vector_store %arg12[%swap3A_121, %swap3A_122], %gather3A {strides = array<i32>} : memref<4x512xf32, #tpu.memory_space<vmem>>, vector<16xf32>,
      %mul3A_124 = arith.constant 16 : i32
      %mul3A_125 = arith.muli %mul3A_124, %scan3A_105 : i32
      %add3A_126 = arith.constant 512 : i32
      %add3A_127 = arith.addi %add3A_126, %mul3A_125 : i32
      %add3A_128 = vector.broadcast %add3A_127 : i32 to vector<16xi32>
      %add3A_129 = arith.addi %add3A_128, %iota3A : vector<16xi32>
      %gather3A_130 = tpu.vector_load_idx %arg10[%add3A_129, %and3A_112] : memref<1536x16xf32, #tpu.memory_space<vmem>>[vector<16xi32>, vector<16xi32>], vector<16xf32>,
      %mul3A_131 = arith.constant 16 : i32
      %mul3A_132 = arith.muli %mul3A_131, %scan3A_105 : i32
      %swap3A_133 = arith.constant 1 : i32
      %swap3A_134 = arith.index_cast %swap3A_133 : i32 to index
      %swap3A_135 = arith.index_cast %mul3A_132 : i32 to index
      %swap3A_136 = tpu.vector_load %arg12[%swap3A_134, %swap3A_135] {strides = array<i32>} : memref<4x512xf32, #tpu.memory_space<vmem>>, vector<16xf32>,
      tpu.vector_store %arg12[%swap3A_134, %swap3A_135], %gather3A_130 {strides = array<i32>} : memref<4x512xf32, #tpu.memory_space<vmem>>, vector<16xf32>,
      %mul3A_137 = arith.constant 16 : i32
      %mul3A_138 = arith.muli %mul3A_137, %scan3A_105 : i32
      %add3A_139 = arith.constant 1024 : i32
      %add3A_140 = arith.addi %add3A_139, %mul3A_138 : i32
      %add3A_141 = vector.broadcast %add3A_140 : i32 to vector<16xi32>
      %add3A_142 = arith.addi %add3A_141, %iota3A : vector<16xi32>
      %gather3A_143 = tpu.vector_load_idx %arg10[%add3A_142, %and3A_112] : memref<1536x16xf32, #tpu.memory_space<vmem>>[vector<16xi32>, vector<16xi32>], vector<16xf32>,
      %mul3A_144 = arith.constant 16 : i32
      %mul3A_145 = arith.muli %mul3A_144, %scan3A_105 : i32
      %swap3A_146 = arith.constant 2 : i32
      %swap3A_147 = arith.index_cast %swap3A_146 : i32 to index
      %swap3A_148 = arith.index_cast %mul3A_145 : i32 to index
      %swap3A_149 = tpu.vector_load %arg12[%swap3A_147, %swap3A_148] {strides = array<i32>} : memref<4x512xf32, #tpu.memory_space<vmem>>, vector<16xf32>,
      tpu.vector_store %arg12[%swap3A_147, %swap3A_148], %gather3A_143 {strides = array<i32>} : memref<4x512xf32, #tpu.memory_space<vmem>>, vector<16xf32>,
      %scan3A_150 = arith.constant 0 : i32
      scf.yield %scan3A_150 : i32
    }
    %scan3A_72 = arith.constant 32 : i32
    %jit3A = arith.constant 128 : i32
    %div3A = arith.divsi %mul3A_2, %jit3A : i32
    %sign3A = arith.constant 0 : i32
    %sign3A_73 = arith.cmpi sgt, %mul3A_2, %sign3A : i32
    %sign3A_74 = arith.extui %sign3A_73 : i1 to i32
    %sign3A_75 = arith.constant 0 : i32
    %sign3A_76 = arith.cmpi slt, %mul3A_2, %sign3A_75 : i32
    %sign3A_77 = arith.extui %sign3A_76 : i1 to i32
    %sign3A_78 = arith.subi %sign3A_74, %sign3A_77 : i32
    %sign3A_79 = arith.constant 0 : i32
    %sign3A_80 = arith.cmpi sgt, %jit3A, %sign3A_79 : i32
    %sign3A_81 = arith.extui %sign3A_80 : i1 to i32
    %sign3A_82 = arith.constant 0 : i32
    %sign3A_83 = arith.cmpi slt, %jit3A, %sign3A_82 : i32
    %sign3A_84 = arith.extui %sign3A_83 : i1 to i32
    %sign3A_85 = arith.subi %sign3A_81, %sign3A_84 : i32
    %ne3A = arith.cmpi ne, %sign3A_78, %sign3A_85 : i32
    %rem3A = arith.remsi %mul3A_2, %jit3A : i32
    %ne3A_86 = arith.constant 0 : i32
    %ne3A_87 = arith.cmpi ne, %rem3A, %ne3A_86 : i32
    %and3A = arith.andi %ne3A, %ne3A_87 : i1
    %sub3A = arith.constant 1 : i32
    %sub3A_88 = arith.subi %div3A, %sub3A : i32
    %select_n3A = arith.select %and3A, %sub3A_88, %div3A : i32
    %add3A_89 = arith.constant 0 : i32
    %add3A_90 = arith.addi %select_n3A, %add3A_89 : i32
    "tpu.region"() ({
      %run_scoped3A = tpu.sem_alloc : memref<!tpu.dma_semaphore, #tpu.memory_space<semaphore_mem>>
      %dma_start3A_105 = arith.constant 0 : i32
      %dma_start3A_106 = arith.constant 0 : i32
      %dma_start3A_107 = tpu.memref_slice %arg11[%dma_start3A_105, %dma_start3A_106] : memref<4x512xf32, #tpu.memory_space<vmem>> -> memref<4x128xf32, #tpu.memory_space<vmem>>
      %dma_start3A_108 = arith.constant 0 : i32
      %dma_start3A_109 = arith.constant 0 : i32
      %dma_start3A_110 = tpu.memref_slice %arg4[%add3A_90, %dma_start3A_108, %dma_start3A_109] : memref<128x4x128xf32, #tpu.memory_space<hbm>> -> memref<1x4x128xf32, #tpu.memory_space<hbm>>
      %dma_start3A_111 = tpu.memref_squeeze %dma_start3A_110 : memref<1x4x128xf32, #tpu.memory_space<hbm>> -> memref<4x128xf32, #tpu.memory_space<hbm>>
      %dma_start3A_112 = arith.constant 0 : i32
      %dma_start3A_113 = arith.constant 0 : i32
      %dma_start3A_114 = tpu.memref_slice %arg4[%add3A_90, %dma_start3A_112, %dma_start3A_113] : memref<128x4x128xf32, #tpu.memory_space<hbm>> -> memref<1x4x128xf32, #tpu.memory_space<hbm>>
      %dma_start3A_115 = tpu.memref_squeeze %dma_start3A_114 : memref<1x4x128xf32, #tpu.memory_space<hbm>> -> memref<4x128xf32, #tpu.memory_space<hbm>>
      %dma_start3A_116 = arith.constant 0 : i32
      %dma_start3A_117 = arith.constant 0 : i32
      %dma_start3A_118 = tpu.memref_slice %arg11[%dma_start3A_116, %dma_start3A_117] : memref<4x512xf32, #tpu.memory_space<vmem>> -> memref<4x128xf32, #tpu.memory_space<vmem>>
      tpu.enqueue_dma source(%dma_start3A_118 : memref<4x128xf32, #tpu.memory_space<vmem>>) target(%dma_start3A_115 : memref<4x128xf32, #tpu.memory_space<hbm>>) target_semaphore(%run_scoped3A : memref<!tpu.dma_semaphore, #tpu.memory_space<semaphore_mem>>)
      %dma_wait3A_119 = arith.constant 0 : i32
      %dma_wait3A_120 = arith.constant 0 : i32
      %dma_wait3A_121 = tpu.memref_slice %arg11[%dma_wait3A_119, %dma_wait3A_120] : memref<4x512xf32, #tpu.memory_space<vmem>> -> memref<4x128xf32, #tpu.memory_space<vmem>>
      %dma_wait3A_122 = arith.constant 0 : i32
      %dma_wait3A_123 = arith.constant 0 : i32
      %dma_wait3A_124 = tpu.memref_slice %arg4[%add3A_90, %dma_wait3A_122, %dma_wait3A_123] : memref<128x4x128xf32, #tpu.memory_space<hbm>> -> memref<1x4x128xf32, #tpu.memory_space<hbm>>
      %dma_wait3A_125 = tpu.memref_squeeze %dma_wait3A_124 : memref<1x4x128xf32, #tpu.memory_space<hbm>> -> memref<4x128xf32, #tpu.memory_space<hbm>>
      %dma_wait3A_126 = arith.constant 0 : i32
      %dma_wait3A_127 = arith.constant 0 : i32
      %dma_wait3A_128 = tpu.memref_slice %arg4[%add3A_90, %dma_wait3A_126, %dma_wait3A_127] : memref<128x4x128xf32, #tpu.memory_space<hbm>> -> memref<1x4x128xf32, #tpu.memory_space<hbm>>
      %dma_wait3A_129 = tpu.memref_squeeze %dma_wait3A_128 : memref<1x4x128xf32, #tpu.memory_space<hbm>> -> memref<4x128xf32, #tpu.memory_space<hbm>>
      %dma_wait3A_130 = arith.constant 0 : i32
      %dma_wait3A_131 = arith.constant 0 : i32
      %dma_wait3A_132 = tpu.memref_slice %arg11[%dma_wait3A_130, %dma_wait3A_131] : memref<4x512xf32, #tpu.memory_space<vmem>> -> memref<4x128xf32, #tpu.memory_space<vmem>>
      tpu.wait_dma2 semaphore(%run_scoped3A : memref<!tpu.dma_semaphore, #tpu.memory_space<semaphore_mem>>) src(%dma_wait3A_132 : memref<4x128xf32, #tpu.memory_space<vmem>>) dst(%dma_wait3A_129 : memref<4x128xf32, #tpu.memory_space<hbm>>)
      tpu.yield
    }) : () -> ()
    %add3A_91 = arith.constant 0 : i32
    %add3A_92 = arith.addi %select_n3A, %add3A_91 : i32
    "tpu.region"() ({
      %run_scoped3A = tpu.sem_alloc : memref<!tpu.dma_semaphore, #tpu.memory_space<semaphore_mem>>
      %dma_start3A_105 = arith.constant 0 : i32
      %dma_start3A_106 = arith.constant 0 : i32
      %dma_start3A_107 = tpu.memref_slice %arg12[%dma_start3A_105, %dma_start3A_106] : memref<4x512xf32, #tpu.memory_space<vmem>> -> memref<4x128xf32, #tpu.memory_space<vmem>>
      %dma_start3A_108 = arith.constant 0 : i32
      %dma_start3A_109 = arith.constant 0 : i32
      %dma_start3A_110 = tpu.memref_slice %arg5[%add3A_92, %dma_start3A_108, %dma_start3A_109] : memref<128x4x128xf32, #tpu.memory_space<hbm>> -> memref<1x4x128xf32, #tpu.memory_space<hbm>>
      %dma_start3A_111 = tpu.memref_squeeze %dma_start3A_110 : memref<1x4x128xf32, #tpu.memory_space<hbm>> -> memref<4x128xf32, #tpu.memory_space<hbm>>
      %dma_start3A_112 = arith.constant 0 : i32
      %dma_start3A_113 = arith.constant 0 : i32
      %dma_start3A_114 = tpu.memref_slice %arg5[%add3A_92, %dma_start3A_112, %dma_start3A_113] : memref<128x4x128xf32, #tpu.memory_space<hbm>> -> memref<1x4x128xf32, #tpu.memory_space<hbm>>
      %dma_start3A_115 = tpu.memref_squeeze %dma_start3A_114 : memref<1x4x128xf32, #tpu.memory_space<hbm>> -> memref<4x128xf32, #tpu.memory_space<hbm>>
      %dma_start3A_116 = arith.constant 0 : i32
      %dma_start3A_117 = arith.constant 0 : i32
      %dma_start3A_118 = tpu.memref_slice %arg12[%dma_start3A_116, %dma_start3A_117] : memref<4x512xf32, #tpu.memory_space<vmem>> -> memref<4x128xf32, #tpu.memory_space<vmem>>
      tpu.enqueue_dma source(%dma_start3A_118 : memref<4x128xf32, #tpu.memory_space<vmem>>) target(%dma_start3A_115 : memref<4x128xf32, #tpu.memory_space<hbm>>) target_semaphore(%run_scoped3A : memref<!tpu.dma_semaphore, #tpu.memory_space<semaphore_mem>>)
      %dma_wait3A_119 = arith.constant 0 : i32
      %dma_wait3A_120 = arith.constant 0 : i32
      %dma_wait3A_121 = tpu.memref_slice %arg12[%dma_wait3A_119, %dma_wait3A_120] : memref<4x512xf32, #tpu.memory_space<vmem>> -> memref<4x128xf32, #tpu.memory_space<vmem>>
      %dma_wait3A_122 = arith.constant 0 : i32
      %dma_wait3A_123 = arith.constant 0 : i32
      %dma_wait3A_124 = tpu.memref_slice %arg5[%add3A_92, %dma_wait3A_122, %dma_wait3A_123] : memref<128x4x128xf32, #tpu.memory_space<hbm>> -> memref<1x4x128xf32, #tpu.memory_space<hbm>>
      %dma_wait3A_125 = tpu.memref_squeeze %dma_wait3A_124 : memref<1x4x128xf32, #tpu.memory_space<hbm>> -> memref<4x128xf32, #tpu.memory_space<hbm>>
      %dma_wait3A_126 = arith.constant 0 : i32
      %dma_wait3A_127 = arith.constant 0 : i32
      %dma_wait3A_128 = tpu.memref_slice %arg5[%add3A_92, %dma_wait3A_126, %dma_wait3A_127] : memref<128x4x128xf32, #tpu.memory_space<hbm>> -> memref<1x4x128xf32, #tpu.memory_space<hbm>>
      %dma_wait3A_129 = tpu.memref_squeeze %dma_wait3A_128 : memref<1x4x128xf32, #tpu.memory_space<hbm>> -> memref<4x128xf32, #tpu.memory_space<hbm>>
      %dma_wait3A_130 = arith.constant 0 : i32
      %dma_wait3A_131 = arith.constant 0 : i32
      %dma_wait3A_132 = tpu.memref_slice %arg12[%dma_wait3A_130, %dma_wait3A_131] : memref<4x512xf32, #tpu.memory_space<vmem>> -> memref<4x128xf32, #tpu.memory_space<vmem>>
      tpu.wait_dma2 semaphore(%run_scoped3A : memref<!tpu.dma_semaphore, #tpu.memory_space<semaphore_mem>>) src(%dma_wait3A_132 : memref<4x128xf32, #tpu.memory_space<vmem>>) dst(%dma_wait3A_129 : memref<4x128xf32, #tpu.memory_space<hbm>>)
      tpu.yield
    }) : () -> ()
    %add3A_93 = arith.constant 1 : i32
    %add3A_94 = arith.addi %select_n3A, %add3A_93 : i32
    "tpu.region"() ({
      %run_scoped3A = tpu.sem_alloc : memref<!tpu.dma_semaphore, #tpu.memory_space<semaphore_mem>>
      %dma_start3A_105 = arith.constant 0 : i32
      %dma_start3A_106 = arith.constant 128 : i32
      %dma_start3A_107 = tpu.memref_slice %arg11[%dma_start3A_105, %dma_start3A_106] : memref<4x512xf32, #tpu.memory_space<vmem>> -> memref<4x128xf32, #tpu.memory_space<vmem>>
      %dma_start3A_108 = arith.constant 0 : i32
      %dma_start3A_109 = arith.constant 0 : i32
      %dma_start3A_110 = tpu.memref_slice %arg4[%add3A_94, %dma_start3A_108, %dma_start3A_109] : memref<128x4x128xf32, #tpu.memory_space<hbm>> -> memref<1x4x128xf32, #tpu.memory_space<hbm>>
      %dma_start3A_111 = tpu.memref_squeeze %dma_start3A_110 : memref<1x4x128xf32, #tpu.memory_space<hbm>> -> memref<4x128xf32, #tpu.memory_space<hbm>>
      %dma_start3A_112 = arith.constant 0 : i32
      %dma_start3A_113 = arith.constant 0 : i32
      %dma_start3A_114 = tpu.memref_slice %arg4[%add3A_94, %dma_start3A_112, %dma_start3A_113] : memref<128x4x128xf32, #tpu.memory_space<hbm>> -> memref<1x4x128xf32, #tpu.memory_space<hbm>>
      %dma_start3A_115 = tpu.memref_squeeze %dma_start3A_114 : memref<1x4x128xf32, #tpu.memory_space<hbm>> -> memref<4x128xf32, #tpu.memory_space<hbm>>
      %dma_start3A_116 = arith.constant 0 : i32
      %dma_start3A_117 = arith.constant 128 : i32
      %dma_start3A_118 = tpu.memref_slice %arg11[%dma_start3A_116, %dma_start3A_117] : memref<4x512xf32, #tpu.memory_space<vmem>> -> memref<4x128xf32, #tpu.memory_space<vmem>>
      tpu.enqueue_dma source(%dma_start3A_118 : memref<4x128xf32, #tpu.memory_space<vmem>>) target(%dma_start3A_115 : memref<4x128xf32, #tpu.memory_space<hbm>>) target_semaphore(%run_scoped3A : memref<!tpu.dma_semaphore, #tpu.memory_space<semaphore_mem>>)
      %dma_wait3A_119 = arith.constant 0 : i32
      %dma_wait3A_120 = arith.constant 128 : i32
      %dma_wait3A_121 = tpu.memref_slice %arg11[%dma_wait3A_119, %dma_wait3A_120] : memref<4x512xf32, #tpu.memory_space<vmem>> -> memref<4x128xf32, #tpu.memory_space<vmem>>
      %dma_wait3A_122 = arith.constant 0 : i32
      %dma_wait3A_123 = arith.constant 0 : i32
      %dma_wait3A_124 = tpu.memref_slice %arg4[%add3A_94, %dma_wait3A_122, %dma_wait3A_123] : memref<128x4x128xf32, #tpu.memory_space<hbm>> -> memref<1x4x128xf32, #tpu.memory_space<hbm>>
      %dma_wait3A_125 = tpu.memref_squeeze %dma_wait3A_124 : memref<1x4x128xf32, #tpu.memory_space<hbm>> -> memref<4x128xf32, #tpu.memory_space<hbm>>
      %dma_wait3A_126 = arith.constant 0 : i32
      %dma_wait3A_127 = arith.constant 0 : i32
      %dma_wait3A_128 = tpu.memref_slice %arg4[%add3A_94, %dma_wait3A_126, %dma_wait3A_127] : memref<128x4x128xf32, #tpu.memory_space<hbm>> -> memref<1x4x128xf32, #tpu.memory_space<hbm>>
      %dma_wait3A_129 = tpu.memref_squeeze %dma_wait3A_128 : memref<1x4x128xf32, #tpu.memory_space<hbm>> -> memref<4x128xf32, #tpu.memory_space<hbm>>
      %dma_wait3A_130 = arith.constant 0 : i32
      %dma_wait3A_131 = arith.constant 128 : i32
      %dma_wait3A_132 = tpu.memref_slice %arg11[%dma_wait3A_130, %dma_wait3A_131] : memref<4x512xf32, #tpu.memory_space<vmem>> -> memref<4x128xf32, #tpu.memory_space<vmem>>
      tpu.wait_dma2 semaphore(%run_scoped3A : memref<!tpu.dma_semaphore, #tpu.memory_space<semaphore_mem>>) src(%dma_wait3A_132 : memref<4x128xf32, #tpu.memory_space<vmem>>) dst(%dma_wait3A_129 : memref<4x128xf32, #tpu.memory_space<hbm>>)
      tpu.yield
    }) : () -> ()
    %add3A_95 = arith.constant 1 : i32
    %add3A_96 = arith.addi %select_n3A, %add3A_95 : i32
    "tpu.region"() ({
      %run_scoped3A = tpu.sem_alloc : memref<!tpu.dma_semaphore, #tpu.memory_space<semaphore_mem>>
      %dma_start3A_105 = arith.constant 0 : i32
      %dma_start3A_106 = arith.constant 128 : i32
      %dma_start3A_107 = tpu.memref_slice %arg12[%dma_start3A_105, %dma_start3A_106] : memref<4x512xf32, #tpu.memory_space<vmem>> -> memref<4x128xf32, #tpu.memory_space<vmem>>
      %dma_start3A_108 = arith.constant 0 : i32
      %dma_start3A_109 = arith.constant 0 : i32
      %dma_start3A_110 = tpu.memref_slice %arg5[%add3A_96, %dma_start3A_108, %dma_start3A_109] : memref<128x4x128xf32, #tpu.memory_space<hbm>> -> memref<1x4x128xf32, #tpu.memory_space<hbm>>
      %dma_start3A_111 = tpu.memref_squeeze %dma_start3A_110 : memref<1x4x128xf32, #tpu.memory_space<hbm>> -> memref<4x128xf32, #tpu.memory_space<hbm>>
      %dma_start3A_112 = arith.constant 0 : i32
      %dma_start3A_113 = arith.constant 0 : i32
      %dma_start3A_114 = tpu.memref_slice %arg5[%add3A_96, %dma_start3A_112, %dma_start3A_113] : memref<128x4x128xf32, #tpu.memory_space<hbm>> -> memref<1x4x128xf32, #tpu.memory_space<hbm>>
      %dma_start3A_115 = tpu.memref_squeeze %dma_start3A_114 : memref<1x4x128xf32, #tpu.memory_space<hbm>> -> memref<4x128xf32, #tpu.memory_space<hbm>>
      %dma_start3A_116 = arith.constant 0 : i32
      %dma_start3A_117 = arith.constant 128 : i32
      %dma_start3A_118 = tpu.memref_slice %arg12[%dma_start3A_116, %dma_start3A_117] : memref<4x512xf32, #tpu.memory_space<vmem>> -> memref<4x128xf32, #tpu.memory_space<vmem>>
      tpu.enqueue_dma source(%dma_start3A_118 : memref<4x128xf32, #tpu.memory_space<vmem>>) target(%dma_start3A_115 : memref<4x128xf32, #tpu.memory_space<hbm>>) target_semaphore(%run_scoped3A : memref<!tpu.dma_semaphore, #tpu.memory_space<semaphore_mem>>)
      %dma_wait3A_119 = arith.constant 0 : i32
      %dma_wait3A_120 = arith.constant 128 : i32
      %dma_wait3A_121 = tpu.memref_slice %arg12[%dma_wait3A_119, %dma_wait3A_120] : memref<4x512xf32, #tpu.memory_space<vmem>> -> memref<4x128xf32, #tpu.memory_space<vmem>>
      %dma_wait3A_122 = arith.constant 0 : i32
      %dma_wait3A_123 = arith.constant 0 : i32
      %dma_wait3A_124 = tpu.memref_slice %arg5[%add3A_96, %dma_wait3A_122, %dma_wait3A_123] : memref<128x4x128xf32, #tpu.memory_space<hbm>> -> memref<1x4x128xf32, #tpu.memory_space<hbm>>
      %dma_wait3A_125 = tpu.memref_squeeze %dma_wait3A_124 : memref<1x4x128xf32, #tpu.memory_space<hbm>> -> memref<4x128xf32, #tpu.memory_space<hbm>>
      %dma_wait3A_126 = arith.constant 0 : i32
      %dma_wait3A_127 = arith.constant 0 : i32
      %dma_wait3A_128 = tpu.memref_slice %arg5[%add3A_96, %dma_wait3A_126, %dma_wait3A_127] : memref<128x4x128xf32, #tpu.memory_space<hbm>> -> memref<1x4x128xf32, #tpu.memory_space<hbm>>
      %dma_wait3A_129 = tpu.memref_squeeze %dma_wait3A_128 : memref<1x4x128xf32, #tpu.memory_space<hbm>> -> memref<4x128xf32, #tpu.memory_space<hbm>>
      %dma_wait3A_130 = arith.constant 0 : i32
      %dma_wait3A_131 = arith.constant 128 : i32
      %dma_wait3A_132 = tpu.memref_slice %arg12[%dma_wait3A_130, %dma_wait3A_131] : memref<4x512xf32, #tpu.memory_space<vmem>> -> memref<4x128xf32, #tpu.memory_space<vmem>>
      tpu.wait_dma2 semaphore(%run_scoped3A : memref<!tpu.dma_semaphore, #tpu.memory_space<semaphore_mem>>) src(%dma_wait3A_132 : memref<4x128xf32, #tpu.memory_space<vmem>>) dst(%dma_wait3A_129 : memref<4x128xf32, #tpu.memory_space<hbm>>)
      tpu.yield
    }) : () -> ()
    %add3A_97 = arith.constant 2 : i32
    %add3A_98 = arith.addi %select_n3A, %add3A_97 : i32
    "tpu.region"() ({
      %run_scoped3A = tpu.sem_alloc : memref<!tpu.dma_semaphore, #tpu.memory_space<semaphore_mem>>
      %dma_start3A_105 = arith.constant 0 : i32
      %dma_start3A_106 = arith.constant 256 : i32
      %dma_start3A_107 = tpu.memref_slice %arg11[%dma_start3A_105, %dma_start3A_106] : memref<4x512xf32, #tpu.memory_space<vmem>> -> memref<4x128xf32, #tpu.memory_space<vmem>>
      %dma_start3A_108 = arith.constant 0 : i32
      %dma_start3A_109 = arith.constant 0 : i32
      %dma_start3A_110 = tpu.memref_slice %arg4[%add3A_98, %dma_start3A_108, %dma_start3A_109] : memref<128x4x128xf32, #tpu.memory_space<hbm>> -> memref<1x4x128xf32, #tpu.memory_space<hbm>>
      %dma_start3A_111 = tpu.memref_squeeze %dma_start3A_110 : memref<1x4x128xf32, #tpu.memory_space<hbm>> -> memref<4x128xf32, #tpu.memory_space<hbm>>
      %dma_start3A_112 = arith.constant 0 : i32
      %dma_start3A_113 = arith.constant 0 : i32
      %dma_start3A_114 = tpu.memref_slice %arg4[%add3A_98, %dma_start3A_112, %dma_start3A_113] : memref<128x4x128xf32, #tpu.memory_space<hbm>> -> memref<1x4x128xf32, #tpu.memory_space<hbm>>
      %dma_start3A_115 = tpu.memref_squeeze %dma_start3A_114 : memref<1x4x128xf32, #tpu.memory_space<hbm>> -> memref<4x128xf32, #tpu.memory_space<hbm>>
      %dma_start3A_116 = arith.constant 0 : i32
      %dma_start3A_117 = arith.constant 256 : i32
      %dma_start3A_118 = tpu.memref_slice %arg11[%dma_start3A_116, %dma_start3A_117] : memref<4x512xf32, #tpu.memory_space<vmem>> -> memref<4x128xf32, #tpu.memory_space<vmem>>
      tpu.enqueue_dma source(%dma_start3A_118 : memref<4x128xf32, #tpu.memory_space<vmem>>) target(%dma_start3A_115 : memref<4x128xf32, #tpu.memory_space<hbm>>) target_semaphore(%run_scoped3A : memref<!tpu.dma_semaphore, #tpu.memory_space<semaphore_mem>>)
      %dma_wait3A_119 = arith.constant 0 : i32
      %dma_wait3A_120 = arith.constant 256 : i32
      %dma_wait3A_121 = tpu.memref_slice %arg11[%dma_wait3A_119, %dma_wait3A_120] : memref<4x512xf32, #tpu.memory_space<vmem>> -> memref<4x128xf32, #tpu.memory_space<vmem>>
      %dma_wait3A_122 = arith.constant 0 : i32
      %dma_wait3A_123 = arith.constant 0 : i32
      %dma_wait3A_124 = tpu.memref_slice %arg4[%add3A_98, %dma_wait3A_122, %dma_wait3A_123] : memref<128x4x128xf32, #tpu.memory_space<hbm>> -> memref<1x4x128xf32, #tpu.memory_space<hbm>>
      %dma_wait3A_125 = tpu.memref_squeeze %dma_wait3A_124 : memref<1x4x128xf32, #tpu.memory_space<hbm>> -> memref<4x128xf32, #tpu.memory_space<hbm>>
      %dma_wait3A_126 = arith.constant 0 : i32
      %dma_wait3A_127 = arith.constant 0 : i32
      %dma_wait3A_128 = tpu.memref_slice %arg4[%add3A_98, %dma_wait3A_126, %dma_wait3A_127] : memref<128x4x128xf32, #tpu.memory_space<hbm>> -> memref<1x4x128xf32, #tpu.memory_space<hbm>>
      %dma_wait3A_129 = tpu.memref_squeeze %dma_wait3A_128 : memref<1x4x128xf32, #tpu.memory_space<hbm>> -> memref<4x128xf32, #tpu.memory_space<hbm>>
      %dma_wait3A_130 = arith.constant 0 : i32
      %dma_wait3A_131 = arith.constant 256 : i32
      %dma_wait3A_132 = tpu.memref_slice %arg11[%dma_wait3A_130, %dma_wait3A_131] : memref<4x512xf32, #tpu.memory_space<vmem>> -> memref<4x128xf32, #tpu.memory_space<vmem>>
      tpu.wait_dma2 semaphore(%run_scoped3A : memref<!tpu.dma_semaphore, #tpu.memory_space<semaphore_mem>>) src(%dma_wait3A_132 : memref<4x128xf32, #tpu.memory_space<vmem>>) dst(%dma_wait3A_129 : memref<4x128xf32, #tpu.memory_space<hbm>>)
      tpu.yield
    }) : () -> ()
    %add3A_99 = arith.constant 2 : i32
    %add3A_100 = arith.addi %select_n3A, %add3A_99 : i32
    "tpu.region"() ({
      %run_scoped3A = tpu.sem_alloc : memref<!tpu.dma_semaphore, #tpu.memory_space<semaphore_mem>>
      %dma_start3A_105 = arith.constant 0 : i32
      %dma_start3A_106 = arith.constant 256 : i32
      %dma_start3A_107 = tpu.memref_slice %arg12[%dma_start3A_105, %dma_start3A_106] : memref<4x512xf32, #tpu.memory_space<vmem>> -> memref<4x128xf32, #tpu.memory_space<vmem>>
      %dma_start3A_108 = arith.constant 0 : i32
      %dma_start3A_109 = arith.constant 0 : i32
      %dma_start3A_110 = tpu.memref_slice %arg5[%add3A_100, %dma_start3A_108, %dma_start3A_109] : memref<128x4x128xf32, #tpu.memory_space<hbm>> -> memref<1x4x128xf32, #tpu.memory_space<hbm>>
      %dma_start3A_111 = tpu.memref_squeeze %dma_start3A_110 : memref<1x4x128xf32, #tpu.memory_space<hbm>> -> memref<4x128xf32, #tpu.memory_space<hbm>>
      %dma_start3A_112 = arith.constant 0 : i32
      %dma_start3A_113 = arith.constant 0 : i32
      %dma_start3A_114 = tpu.memref_slice %arg5[%add3A_100, %dma_start3A_112, %dma_start3A_113] : memref<128x4x128xf32, #tpu.memory_space<hbm>> -> memref<1x4x128xf32, #tpu.memory_space<hbm>>
      %dma_start3A_115 = tpu.memref_squeeze %dma_start3A_114 : memref<1x4x128xf32, #tpu.memory_space<hbm>> -> memref<4x128xf32, #tpu.memory_space<hbm>>
      %dma_start3A_116 = arith.constant 0 : i32
      %dma_start3A_117 = arith.constant 256 : i32
      %dma_start3A_118 = tpu.memref_slice %arg12[%dma_start3A_116, %dma_start3A_117] : memref<4x512xf32, #tpu.memory_space<vmem>> -> memref<4x128xf32, #tpu.memory_space<vmem>>
      tpu.enqueue_dma source(%dma_start3A_118 : memref<4x128xf32, #tpu.memory_space<vmem>>) target(%dma_start3A_115 : memref<4x128xf32, #tpu.memory_space<hbm>>) target_semaphore(%run_scoped3A : memref<!tpu.dma_semaphore, #tpu.memory_space<semaphore_mem>>)
      %dma_wait3A_119 = arith.constant 0 : i32
      %dma_wait3A_120 = arith.constant 256 : i32
      %dma_wait3A_121 = tpu.memref_slice %arg12[%dma_wait3A_119, %dma_wait3A_120] : memref<4x512xf32, #tpu.memory_space<vmem>> -> memref<4x128xf32, #tpu.memory_space<vmem>>
      %dma_wait3A_122 = arith.constant 0 : i32
      %dma_wait3A_123 = arith.constant 0 : i32
      %dma_wait3A_124 = tpu.memref_slice %arg5[%add3A_100, %dma_wait3A_122, %dma_wait3A_123] : memref<128x4x128xf32, #tpu.memory_space<hbm>> -> memref<1x4x128xf32, #tpu.memory_space<hbm>>
      %dma_wait3A_125 = tpu.memref_squeeze %dma_wait3A_124 : memref<1x4x128xf32, #tpu.memory_space<hbm>> -> memref<4x128xf32, #tpu.memory_space<hbm>>
      %dma_wait3A_126 = arith.constant 0 : i32
      %dma_wait3A_127 = arith.constant 0 : i32
      %dma_wait3A_128 = tpu.memref_slice %arg5[%add3A_100, %dma_wait3A_126, %dma_wait3A_127] : memref<128x4x128xf32, #tpu.memory_space<hbm>> -> memref<1x4x128xf32, #tpu.memory_space<hbm>>
      %dma_wait3A_129 = tpu.memref_squeeze %dma_wait3A_128 : memref<1x4x128xf32, #tpu.memory_space<hbm>> -> memref<4x128xf32, #tpu.memory_space<hbm>>
      %dma_wait3A_130 = arith.constant 0 : i32
      %dma_wait3A_131 = arith.constant 256 : i32
      %dma_wait3A_132 = tpu.memref_slice %arg12[%dma_wait3A_130, %dma_wait3A_131] : memref<4x512xf32, #tpu.memory_space<vmem>> -> memref<4x128xf32, #tpu.memory_space<vmem>>
      tpu.wait_dma2 semaphore(%run_scoped3A : memref<!tpu.dma_semaphore, #tpu.memory_space<semaphore_mem>>) src(%dma_wait3A_132 : memref<4x128xf32, #tpu.memory_space<vmem>>) dst(%dma_wait3A_129 : memref<4x128xf32, #tpu.memory_space<hbm>>)
      tpu.yield
    }) : () -> ()
    %add3A_101 = arith.constant 3 : i32
    %add3A_102 = arith.addi %select_n3A, %add3A_101 : i32
    "tpu.region"() ({
      %run_scoped3A = tpu.sem_alloc : memref<!tpu.dma_semaphore, #tpu.memory_space<semaphore_mem>>
      %dma_start3A_105 = arith.constant 0 : i32
      %dma_start3A_106 = arith.constant 384 : i32
      %dma_start3A_107 = tpu.memref_slice %arg11[%dma_start3A_105, %dma_start3A_106] : memref<4x512xf32, #tpu.memory_space<vmem>> -> memref<4x128xf32, #tpu.memory_space<vmem>>
      %dma_start3A_108 = arith.constant 0 : i32
      %dma_start3A_109 = arith.constant 0 : i32
      %dma_start3A_110 = tpu.memref_slice %arg4[%add3A_102, %dma_start3A_108, %dma_start3A_109] : memref<128x4x128xf32, #tpu.memory_space<hbm>> -> memref<1x4x128xf32, #tpu.memory_space<hbm>>
      %dma_start3A_111 = tpu.memref_squeeze %dma_start3A_110 : memref<1x4x128xf32, #tpu.memory_space<hbm>> -> memref<4x128xf32, #tpu.memory_space<hbm>>
      %dma_start3A_112 = arith.constant 0 : i32
      %dma_start3A_113 = arith.constant 0 : i32
      %dma_start3A_114 = tpu.memref_slice %arg4[%add3A_102, %dma_start3A_112, %dma_start3A_113] : memref<128x4x128xf32, #tpu.memory_space<hbm>> -> memref<1x4x128xf32, #tpu.memory_space<hbm>>
      %dma_start3A_115 = tpu.memref_squeeze %dma_start3A_114 : memref<1x4x128xf32, #tpu.memory_space<hbm>> -> memref<4x128xf32, #tpu.memory_space<hbm>>
      %dma_start3A_116 = arith.constant 0 : i32
      %dma_start3A_117 = arith.constant 384 : i32
      %dma_start3A_118 = tpu.memref_slice %arg11[%dma_start3A_116, %dma_start3A_117] : memref<4x512xf32, #tpu.memory_space<vmem>> -> memref<4x128xf32, #tpu.memory_space<vmem>>
      tpu.enqueue_dma source(%dma_start3A_118 : memref<4x128xf32, #tpu.memory_space<vmem>>) target(%dma_start3A_115 : memref<4x128xf32, #tpu.memory_space<hbm>>) target_semaphore(%run_scoped3A : memref<!tpu.dma_semaphore, #tpu.memory_space<semaphore_mem>>)
      %dma_wait3A_119 = arith.constant 0 : i32
      %dma_wait3A_120 = arith.constant 384 : i32
      %dma_wait3A_121 = tpu.memref_slice %arg11[%dma_wait3A_119, %dma_wait3A_120] : memref<4x512xf32, #tpu.memory_space<vmem>> -> memref<4x128xf32, #tpu.memory_space<vmem>>
      %dma_wait3A_122 = arith.constant 0 : i32
      %dma_wait3A_123 = arith.constant 0 : i32
      %dma_wait3A_124 = tpu.memref_slice %arg4[%add3A_102, %dma_wait3A_122, %dma_wait3A_123] : memref<128x4x128xf32, #tpu.memory_space<hbm>> -> memref<1x4x128xf32, #tpu.memory_space<hbm>>
      %dma_wait3A_125 = tpu.memref_squeeze %dma_wait3A_124 : memref<1x4x128xf32, #tpu.memory_space<hbm>> -> memref<4x128xf32, #tpu.memory_space<hbm>>
      %dma_wait3A_126 = arith.constant 0 : i32
      %dma_wait3A_127 = arith.constant 0 : i32
      %dma_wait3A_128 = tpu.memref_slice %arg4[%add3A_102, %dma_wait3A_126, %dma_wait3A_127] : memref<128x4x128xf32, #tpu.memory_space<hbm>> -> memref<1x4x128xf32, #tpu.memory_space<hbm>>
      %dma_wait3A_129 = tpu.memref_squeeze %dma_wait3A_128 : memref<1x4x128xf32, #tpu.memory_space<hbm>> -> memref<4x128xf32, #tpu.memory_space<hbm>>
      %dma_wait3A_130 = arith.constant 0 : i32
      %dma_wait3A_131 = arith.constant 384 : i32
      %dma_wait3A_132 = tpu.memref_slice %arg11[%dma_wait3A_130, %dma_wait3A_131] : memref<4x512xf32, #tpu.memory_space<vmem>> -> memref<4x128xf32, #tpu.memory_space<vmem>>
      tpu.wait_dma2 semaphore(%run_scoped3A : memref<!tpu.dma_semaphore, #tpu.memory_space<semaphore_mem>>) src(%dma_wait3A_132 : memref<4x128xf32, #tpu.memory_space<vmem>>) dst(%dma_wait3A_129 : memref<4x128xf32, #tpu.memory_space<hbm>>)
      tpu.yield
    }) : () -> ()
    %add3A_103 = arith.constant 3 : i32
    %add3A_104 = arith.addi %select_n3A, %add3A_103 : i32
    "tpu.region"() ({
      %run_scoped3A = tpu.sem_alloc : memref<!tpu.dma_semaphore, #tpu.memory_space<semaphore_mem>>
      %dma_start3A_105 = arith.constant 0 : i32
      %dma_start3A_106 = arith.constant 384 : i32
      %dma_start3A_107 = tpu.memref_slice %arg12[%dma_start3A_105, %dma_start3A_106] : memref<4x512xf32, #tpu.memory_space<vmem>> -> memref<4x128xf32, #tpu.memory_space<vmem>>
      %dma_start3A_108 = arith.constant 0 : i32
      %dma_start3A_109 = arith.constant 0 : i32
      %dma_start3A_110 = tpu.memref_slice %arg5[%add3A_104, %dma_start3A_108, %dma_start3A_109] : memref<128x4x128xf32, #tpu.memory_space<hbm>> -> memref<1x4x128xf32, #tpu.memory_space<hbm>>
      %dma_start3A_111 = tpu.memref_squeeze %dma_start3A_110 : memref<1x4x128xf32, #tpu.memory_space<hbm>> -> memref<4x128xf32, #tpu.memory_space<hbm>>
      %dma_start3A_112 = arith.constant 0 : i32
      %dma_start3A_113 = arith.constant 0 : i32
      %dma_start3A_114 = tpu.memref_slice %arg5[%add3A_104, %dma_start3A_112, %dma_start3A_113] : memref<128x4x128xf32, #tpu.memory_space<hbm>> -> memref<1x4x128xf32, #tpu.memory_space<hbm>>
      %dma_start3A_115 = tpu.memref_squeeze %dma_start3A_114 : memref<1x4x128xf32, #tpu.memory_space<hbm>> -> memref<4x128xf32, #tpu.memory_space<hbm>>
      %dma_start3A_116 = arith.constant 0 : i32
      %dma_start3A_117 = arith.constant 384 : i32
      %dma_start3A_118 = tpu.memref_slice %arg12[%dma_start3A_116, %dma_start3A_117] : memref<4x512xf32, #tpu.memory_space<vmem>> -> memref<4x128xf32, #tpu.memory_space<vmem>>
      tpu.enqueue_dma source(%dma_start3A_118 : memref<4x128xf32, #tpu.memory_space<vmem>>) target(%dma_start3A_115 : memref<4x128xf32, #tpu.memory_space<hbm>>) target_semaphore(%run_scoped3A : memref<!tpu.dma_semaphore, #tpu.memory_space<semaphore_mem>>)
      %dma_wait3A_119 = arith.constant 0 : i32
      %dma_wait3A_120 = arith.constant 384 : i32
      %dma_wait3A_121 = tpu.memref_slice %arg12[%dma_wait3A_119, %dma_wait3A_120] : memref<4x512xf32, #tpu.memory_space<vmem>> -> memref<4x128xf32, #tpu.memory_space<vmem>>
      %dma_wait3A_122 = arith.constant 0 : i32
      %dma_wait3A_123 = arith.constant 0 : i32
      %dma_wait3A_124 = tpu.memref_slice %arg5[%add3A_104, %dma_wait3A_122, %dma_wait3A_123] : memref<128x4x128xf32, #tpu.memory_space<hbm>> -> memref<1x4x128xf32, #tpu.memory_space<hbm>>
      %dma_wait3A_125 = tpu.memref_squeeze %dma_wait3A_124 : memref<1x4x128xf32, #tpu.memory_space<hbm>> -> memref<4x128xf32, #tpu.memory_space<hbm>>
      %dma_wait3A_126 = arith.constant 0 : i32
      %dma_wait3A_127 = arith.constant 0 : i32
      %dma_wait3A_128 = tpu.memref_slice %arg5[%add3A_104, %dma_wait3A_126, %dma_wait3A_127] : memref<128x4x128xf32, #tpu.memory_space<hbm>> -> memref<1x4x128xf32, #tpu.memory_space<hbm>>
      %dma_wait3A_129 = tpu.memref_squeeze %dma_wait3A_128 : memref<1x4x128xf32, #tpu.memory_space<hbm>> -> memref<4x128xf32, #tpu.memory_space<hbm>>
      %dma_wait3A_130 = arith.constant 0 : i32
      %dma_wait3A_131 = arith.constant 384 : i32
      %dma_wait3A_132 = tpu.memref_slice %arg12[%dma_wait3A_130, %dma_wait3A_131] : memref<4x512xf32, #tpu.memory_space<vmem>> -> memref<4x128xf32, #tpu.memory_space<vmem>>
      tpu.wait_dma2 semaphore(%run_scoped3A : memref<!tpu.dma_semaphore, #tpu.memory_space<semaphore_mem>>) src(%dma_wait3A_132 : memref<4x128xf32, #tpu.memory_space<vmem>>) dst(%dma_wait3A_129 : memref<4x128xf32, #tpu.memory_space<hbm>>)
      tpu.yield
    }) : () -> ()
    return
  }
}

</mosaic_0001>

<sc_bundles>
// kernel: kernel.3.cloned.1.call-start
scs
__scs_entry_jumppad:
0x0: {  	(pc) =	sbr.rel $0x88, $3  }
0x1: {  	(tag) =	ssettag $0x0;
	lr =	simm.s32 $0x1  }
0x2: {  	[smem:$0x3F9E] =	sst lr;
	_ =	strace $0xD0000000  }
0x3: {  	_ = 	snop  }
0x4: {  	_ = 	snop  }
0x5: {  	_ = 	snop  }
0x6: {  	_ = 	snop  }
0x7: {  	_ = 	snop  }
__scs_overlays_trampoline_lowered:
0x8: {  	[smem:$0x3FAD] =	sst s0  }
0x9: {  	[smem:$0x3FAE] =	sst s1  }
0xa: {  	[smem:$0x3FAF] =	sst s2  }
0xb: {  	[smem:$0x3FB0] =	sst s3  }
0xc: {  	[smem:$0x3FB1] =	sst s4  }
0xd: {  	[smem:$0x3FB2] =	sst s5  }
0xe: {  	[smem:$0x3FB3] =	sst s6  }
0xf: {  	[smem:$0x3FB4] =	sst s7  }
0x10: {  	[smem:$0x3FB5] =	sst s8  }
0x11: {  	[smem:$0x3FB6] =	sst s9;
	s0 =	simm.s32 @!p0 $0x0  }
0x12: {  	s1 =	sld [smem:$0x3F9C];
	s0 =	simm.s32 @p0 $0x1  }
0x13: {  	[smem:$0x3FB7] =	sst s0;
	s0 =	simm.s32 @!p1 $0x0  }
0x14: {  	s2 =	sld [smem:$0x3F9B];
	s0 =	simm.s32 @p1 $0x1  }
0x15: {  	[smem:$0x3FB8] =	sst s0;
	s0 =	simm.s32 @!p2 $0x0  }
0x16: {  	s3 =	sld [smem:$0x3FDB];
	s0 =	simm.s32 @p2 $0x1  }
0x17: {  	s4 =	simm.s32 $0x1BF5;
	[smem:$0x3FBA] =	sst s0  }
0x18: {  	s0 =	sld [smem:$0x3F9D];
	_ =	swait.ge [sflag:s4], $0x0  }
0x19: {  	s7 =	sld [smem:$0x3F9E]  }
0x1a: {  	s8 =	sadd.s32 $0xFFFFE003, lr  }
0x1b: {  	s9 =	sadd.s32 $0xFFFFFEF7, lr;
	s5 =	simm.s32 $0xFFFFFFFF;
	p2 =	slt.u32 s8, $0xFFFFF086  }
0x1c: {  	p1 =	slt.u32 s9, $0xF7A;
	s5 =	simm.s32 @!p2 $0x0  }
0x1d: {  	s5 =	simm.s32 @p1 $0x1;
	p0 =	seq.s32 s7, s2  }
0x1e: {  	s7 =	smul.u32 @!p0 $0xF7A, s2;
	p2 =	seq.s32 @!p0 s5, $0x0  }
0x1f: {  	s9 =	smul.u32 $0xF7A, s1;
	s8 =	simm.s32 @!p0 $0x1BF5;
	p2 =	por !p2, p0  }
0x20: {  	[sflag:s8] =	ssyncset.s32 @!p0 $0xFFFFF086;
	s6 =	sadd.s32 @!p0 s3, s7;
	s7 =	simm.s32 @!p0 $0x108  }
0x21: {  	s3 =	sadd.s32 s3, s9;
	s6 =	sadd.s32 @!p0 $0x88, s6;
	s7 =	simm.s32 @p2 $0x1082  }
0x22: {  	[simem:s7], [sflag:s8] =	dma.local @!p0 [hbm:s6], $0xF7A  }
0x23: {  	s9 =	sor.u32 $0xD0000000, s2;
	s6 =	simm.s32 $0x108;
	_ =	swait.ge @!p0 [sflag:s8], $0x0  }
0x24: {  	s3 =	sadd.s32 $0x88, s3;
	s6 =	simm.s32 @!p1 $0x1082;
	[sflag:s4] =	ssyncset.s32 $0xFFFFF086  }
0x25: {  	[simem:s6], [sflag:s4] =	dma.local [hbm:s3], $0xF7A  }
0x26: {  	[smem:$0x3F9E] =	sst s1;
	(tag) =	ssettag s2;
	_ =	strace s9  }
0x27: {  	s1 =	sld [smem:$0x3FAE]  }
0x28: {  	s2 =	sld [smem:$0x3FAF]  }
0x29: {  	s4 =	sld [smem:$0x3FB1]  }
0x2a: {  	p0 =	seq.s32 s5, $0x0;
	s5 =	sld [smem:$0x3FB2]  }
0x2b: {  	s6 =	sld [smem:$0x3FB3]  }
0x2c: {  	s7 =	sld [smem:$0x3FB4]  }
0x2d: {  	s3 =	simm.s32 $0x108;
	s8 =	sld [smem:$0x3FB5]  }
0x2e: {  	s3 =	simm.s32 @!p0 $0x1082;
	s9 =	sld [smem:$0x3FB6]  }
0x2f: {  	lr =	sadd.s32 s0, s3;
	s0 =	sld [smem:$0x3FAD]  }
0x30: {  	s3 =	sld [smem:$0x3FB0]  }
0x31: {  	[smem:$0x3FB9] =	sst s10  }
0x32: {  	s10 =	sld [smem:$0x3FB7];
	_ =	sdelay $0x3  }
0x33: {  	p0 =	seq.s32 s10, $0x1;
	s10 =	sld [smem:$0x3FB9];
	_ =	sdelay $0x3  }
0x34: {  	[smem:$0x3FB9] =	sst s10  }
0x35: {  	s10 =	sld [smem:$0x3FB8];
	_ =	sdelay $0x3  }
0x36: {  	p1 =	seq.s32 s10, $0x1;
	s10 =	sld [smem:$0x3FB9];
	_ =	sdelay $0x3  }
0x37: {  	[smem:$0x3FB9] =	sst s10  }
0x38: {  	s10 =	sld [smem:$0x3FBA]  }
0x39: {  	_ = 	snop;
	(pc) =	sbr.ind lr, $3  }
0x3a: {  	_ = 	snop  }
0x3b: {  	_ = 	snop  }
0x3c: {  	p2 =	seq.s32 s10, $0x1;
	s10 =	sld [smem:$0x3FB9]  }
0x3d: {  	_ =	shalt  }
0x3e: {  	_ =	shalt  }
0x3f: {  	_ =	shalt  }
0x40: {  	_ =	shalt  }
0x41: {  	_ =	shalt  }
0x42: {  	_ =	shalt  }
0x43: {  	_ =	shalt  }
0x44: {  	_ =	shalt  }
0x45: {  	_ =	shalt  }
0x46: {  	_ =	shalt  }
0x47: {  	_ =	shalt  }
0x48: {  	_ =	shalt  }
0x49: {  	_ =	shalt  }
0x4a: {  	_ =	shalt  }
0x4b: {  	_ =	shalt  }
0x4c: {  	_ =	shalt  }
0x4d: {  	_ =	shalt  }
0x4e: {  	_ =	shalt  }
0x4f: {  	_ =	shalt  }
0x50: {  	_ =	shalt  }
0x51: {  	_ =	shalt  }
0x52: {  	_ =	shalt  }
0x53: {  	_ =	shalt  }
0x54: {  	_ =	shalt  }
0x55: {  	_ =	shalt  }
0x56: {  	_ =	shalt  }
0x57: {  	_ =	shalt  }
0x58: {  	_ =	shalt  }
0x59: {  	_ =	shalt  }
0x5a: {  	_ =	shalt  }
0x5b: {  	_ =	shalt  }
0x5c: {  	_ =	shalt  }
0x5d: {  	_ =	shalt  }
0x5e: {  	_ =	shalt  }
0x5f: {  	_ =	shalt  }
0x60: {  	_ =	shalt  }
0x61: {  	_ =	shalt  }
0x62: {  	_ =	shalt  }
0x63: {  	_ =	shalt  }
0x64: {  	_ =	shalt  }
0x65: {  	_ =	shalt  }
0x66: {  	_ =	shalt  }
0x67: {  	_ =	shalt  }
0x68: {  	_ =	shalt  }
0x69: {  	_ =	shalt  }
0x6a: {  	_ =	shalt  }
0x6b: {  	_ =	shalt  }
0x6c: {  	_ =	shalt  }
0x6d: {  	_ =	shalt  }
0x6e: {  	_ =	shalt  }
0x6f: {  	_ =	shalt  }
0x70: {  	_ =	shalt  }
0x71: {  	_ =	shalt  }
0x72: {  	_ =	shalt  }
0x73: {  	_ =	shalt  }
0x74: {  	_ =	shalt  }
0x75: {  	_ =	shalt  }
0x76: {  	_ =	shalt  }
0x77: {  	_ =	shalt  }
0x78: {  	_ =	shalt  }
0x79: {  	_ =	shalt  }
0x7a: {  	_ =	shalt  }
0x7b: {  	_ =	shalt  }
0x7c: {  	_ =	shalt  }
0x7d: {  	_ =	shalt  }
0x7e: {  	_ =	shalt  }
0x7f: {  	_ =	shalt  }
0x80: {  	_ =	shalt  }
0x81: {  	_ =	shalt  }
0x82: {  	_ =	shalt  }
0x83: {  	_ =	shalt  }
0x84: {  	_ =	shalt  }
0x85: {  	_ =	shalt  }
0x86: {  	_ =	shalt  }
0x87: {  	_ =	shalt  }
.Lfunc_end0:
.L_simem_size_0:
called_computation_lowered:
.L_overlay_start_0:
0x88: {  	s2 =	sld [smem:$0x3FD9]  }
0x89: {  	s3 =	sld [smem:$0x3FFE];
	_ =	sdelay $0x1  }
0x8a: {  	s1 =	srdreg.scid  }
0x8b: {  	s0 =	sand.u32 $0x1, s1  }
0x8c: {  	s14 =	sshll.u32 s0, $0xA;
	s2 =	sadd.s32 s3, s2  }
0x8d: {  	s2 =	sadd.s32 s2, s14  }
0x8e: {  	[smem:$0x3FC5] =	sst s2  }
0x8f: {  	_ = 	snop  }
0x90: {  	s2 =	sld [smem:$0x3FD0];
	_ =	sdelay $0x2  }
0x91: {  	s4 =	simm.s32 $0xA;
	s5 =	simm.s32 $0x10;
	s15 =	sld [smem:$0x3FC9]  }
0x92: {  	[smem:s5], [sflag:s4] =	dma.local [hbm:s2], $0x1  }
0x93: {  	_ =	swait.eq [sflag:s4], $0x1  }
0x94: {  	[sflag:s4] =	ssyncset.done $0x0  }
0x95: {  	s16 =	sld [smem:$0x10];
	[sflag:s4] =	ssyncadd.s32 $0xFFFFFFFF  }
0x96: {  	s17 =	sld [smem:$0x11];
	(tm) =	ssettm $0x1  }
0x97: {  	s18 =	sld [smem:$0x3FFB];
	_ =	sdelay $0x3  }
0x98: {  	_ =	strace s18  }
0x99: {  	s5 =	sld [smem:$0x3FFC];
	_ =	sdelay $0x3  }
0x9a: {  	_ =	strace s5  }
0x9b: {  	s5 =	sld [smem:$0x3FFD];
	_ =	sdelay $0x3  }
0x9c: {  	_ =	strace s5  }
0x9d: {  	_ =	strace $0x8FFFFFFF  }
0x9e: {  	s19 =	sld [smem:$0x3FDB];
	_ =	sdelay $0x1  }
0x9f: {  	s6 =	simm.s32 $_scs_section_size  }
0xa0: {  	s7 =	simm.s32 $_size__tile_overlayer_lowered;
	s8 =	simm.s32 $_tile_overlayer_lowered  }
0xa1: {  	s22 =	simm.s32 $0x1BFF;
	s21 =	sshll.u32 s8, $0x1;
	s5 =	sadd.s32 s6, s19  }
0xa2: {  	s9 =	simm.s32 $0x0;
	s20 =	sshll.u32 s7, $0x1;
	s7 =	sadd.s32 s21, s5  }
0xa3: {  	[timem:s9], [sflag:s22] =	dma.local [hbm:s7], s20  }
0xa4: {  	_ =	swait.ge [sflag:s22], s20  }
0xa5: {  	s6 =	ssub.s32 $0x0, s20;
	[sflag:s22] =	ssyncset.done $0x0  }
0xa6: {  	[sflag:s22] =	ssyncadd.s32 s6;
	_ =	sdelay $0x1  }
0xa7: {  	s23 =	simm.s32 $0x1B8B  }
0xa8: {  	_ =	swait.ge [sflag:s23], $0x1  }
0xa9: {  	[sflag:s23] =	ssyncset.done $0x0  }
0xaa: {  	s25 =	simm.s32 $0x1B8E;
	s24 =	sld [smem:$0x3FFE];
	[sflag:s23] =	ssyncadd.s32 $0xFFFFFFFF  }
0xab: {  	s26 =	simm.s32 $execute0_lowered;
	[smem:$0x3FD2] =	sst s25  }
0xac: {  	s7 =	sshll.u32 s26, $0x1;
	_ =	strace $0x80000046;
	[dreg:$0x1] =	wrdreg $0xFFFFFFFF  }
0xad: {  	s28 =	simm.s32 $_size_execute0_lowered;
	s5 =	sadd.s32 s5, s7;
	[dreg:$0x0] =	wrdreg $0x0  }
0xae: {  	s7 =	sshll.u32 s28, $0x1;
	[dreg:$0x2] =	wrdreg s5  }
0xaf: {  	[dreg:$0x3] =	wrdreg s7  }
0xb0: {  	[dreg:$0x4] =	wrdreg $0xC0  }
0xb1: {  	_ =	task [dreg:s9], $0x5FFFF  }
0xb2: {  	[dreg:$0x1] =	wrdreg $0xFFFFFFFF  }
0xb3: {  	[dreg:$0x0] =	wrdreg $0x60  }
0xb4: {  	[dreg:$0x2] =	wrdreg s15  }
0xb5: {  	[dreg:$0x3] =	wrdreg s24  }
0xb6: {  	[dreg:$0x4] =	wrdreg s16  }
0xb7: {  	[dreg:$0x5] =	wrdreg s17  }
0xb8: {  	[dreg:$0x6] =	wrdreg $0x9  }
0xb9: {  	_ =	task.clear_ibuf [dreg:s9], $0x7FFFF;
	_ =	strace $0x90000046  }
0xba: {  	s29 =	simm.s32 $0x9;
	_ =	strace $0x80000048  }
0xbb: {  	_ =	swait.ge [sflag:s29], $0x1  }
0xbc: {  	[sflag:s29] =	ssyncadd.s32 $0xFFFFFFFF  }
0xbd: {  	_ =	strace $0x90000048  }
0xbe: {  	_ =	sfence  }
0xbf: {  	s30 =	sld [smem:$0x0];
	_ =	sdelay $0x2  }
0xc0: {  	s31 =	sshll.u32 s1, $0xD;
	s1 =	sshrl.u32 s1, $0x2  }
0xc1: {  	s3 =	sand.u32 $0x4000, s31;
	s1 =	sadd.s32 s1, s30  }
0xc2: {  	s0 =	sor.u32 s3, s0;
	s1 =	sshll.u32 s1, $0x11  }
0xc3: {  	s0 =	sor.u32 s1, s0  }
0xc4: {  	s0 =	sadd.s32 $0x8F2B, s0  }
0xc5: {  	[sflag:s0] =	ssyncadd.remote.s32 $0x1  }
0xc6: {  	_ =	sfence.sel $0xFFFF  }
0xc7: {  	[dreg:$0x0] =	wrdreg $0xFFFFFFFF;
	(pc) =	sbr.abs _section_cstart, $3  }
0xc8: {  	[dreg:$0x1] =	wrdreg $0xFFFFFFFF  }
0xc9: {  	_ =	task.clear_ibuf [dreg:s9], $0x2FFFF;
	_ =	strace $0x9FFFFFFF  }
0xca: {  	(tm) =	ssettm $0x7FFFFFFF  }
0xcb: {  	_ =	shalt  }
tec
execute0_lowered:
.L_overlay_start_1:
0x0: {  	(tag) =	ssettag $0x1  }
0x1: {  	s0 =	rddreg [dreg:$0x0]  }
0x2: {  	s1 =	rddreg [dreg:$0x1]  }
0x3: {  	s11 =	rddreg [dreg:$0x2]  }
0x4: {  	s12 =	rddreg [dreg:$0x3];
	s2 =	simm.s32 $0x0  }
0x5: {  	s3 =	srdreg.scid;
	s5 =	stileid.u32;
	s14 =	simm.s32 $0x4  }
0x6: {  	s15 =	simm.s32 $0x400;
	s17 =	simm.s32 $0x1000;
	s18 =	simm.s32 $0x600  }
0x7: {  	s21 =	simm.s32 $0x9000;
	s22 =	simm.s32 $0x1;
	s23 =	simm.s32 $0x2  }
0x8: {  	s24 =	simm.s32 $0x3;
	s16 =	simm.s32 $0xFD80;
	s19 =	simm.s32 $0xFF80  }
0x9: {  	s20 =	simm.s32 $0x0;
	[smem:$0x7FF] =	sst s2;
	s3 =	sand.u32 $0x1, s3  }
0xa: {  	s5 =	sshll.u32 s5, $0xA;
	_ =	strace $0x80000047;
	s6 =	sshll.u32 s3, $0x9  }
0xb: {  	s4 =	ssub.s32 $0x2, s3;
	s3 =	sadd.s32 $0xA00, s1;
	s5 =	sor.u32 s6, s5  }
0xc: {  	s28 =	sshrl.u32 s4, $0x1;
	s29 =	sshrl.u32 s5, $0x3;
	s10 =	sshrl.u32 s5, $0x1  }
0xd: {  	s1 =	ssub.s32 s4, s28;
	s4 =	sadd.s32 s0, s29;
	s5 =	sadd.s32 s11, s10  }
0xe: {  	s30 =	sor.u32 $0x40, s10;
	s6 =	sadd.s32 s12, s10;
	s13 =	sor.u32 $0x80, s10  }
0xf: {  	s31 =	sor.u32 $0xC0, s10;
	s7 =	sadd.s32 s11, s30;
	s8 =	sadd.s32 s12, s30  }
0x10: {  	v0 =	vlaneseq.u32;
	s9 =	sadd.s32 s11, s13;
	s10 =	sadd.s32 s12, s13;
	s11 =	sadd.s32 s11, s31  }
0x11: {  	v0 =	vmul.u32 $0x10, v0;
	s12 =	sadd.s32 s12, s31;
	s13 =	smax.u32 s1, $0x1;
	s1 =	simm.s32 $0xFB80  }
.LBB2_1:
0x12: {  	[tilespmem:s2], [sflag:$0x4] =	stream.linear.gather [hbm4b:s4+s2], $0x200, $0x38;
	[tilespmem:$0x10000] =	vst v63  }
0x13: {  	_ =	swait.ge [sflag:s14], $0x200  }
0x14: {  	[sflag:s14] =	ssyncset.done $0x0  }
0x15: {  	s25 =	simm.s32 $0x0;
	[sflag:s14] =	ssyncadd.s32 $0xFFFFFE00  }
0x16: {  	v1 =	vld [tilespmem:s25+$0x0]  }
0x17: {  	s26 =	simm.s32 $0x40  }
.LBB2_2:
0x18: {  	p0 =	sne.s32 s26, $0x7C0  }
.Ltmp0:
0x19: {  	_ = 	snop;
	(pc) =	sbr.rel @p0 .LBB2_2-.Ltmp0, $4  }
0x1a: {  	_ = 	snop  }
0x1b: {  	s28 =	sshra.s32 s26, $0x2;
	s26 =	sadd.s32 $0x40, s26;
	v2 =	vshra.s32 v1, $0x4  }
0x1c: {  	v1 =	vld [tilespmem:s28+$0x0];
	[tilespmem:s25+$0x200] =	vst v2;
	v2 =	vadd.s32 $0x186A, v2  }
0x1d: {  	[tilespmem:s25+$0x400] =	vst v2;
	s25 =	smov.u32 s28  }
0x1e: {  	_ =	sdelay $0x2  }
0x1f: {  	v1 =	vshra.s32 v1, $0x4  }
0x20: {  	[tilespmem:s25+$0x200] =	vst v1;
	v1 =	vadd.s32 $0x186A, v1  }
0x21: {  	s0 =	simm.s32 $0x200;
	s26 =	simm.s32 $0x0;
	[tilespmem:s25+$0x400] =	vst v1  }
0x22: {  	[tilespmem:s17], [sflag:$0x1] =	stream.indirect.gather [hbm4b:s3+s15], $0x10, s0, s15, $0xb8;
	[tilespmem:$0x10000] =	vst v63  }
0x23: {  	v1 =	vld [tilespmem:s26+$0x0];
	_ =	sdelay $0x4  }
0x24: {  	s25 =	simm.s32 $0x10;
	v2 =	vshra.s32 v1, $0x4  }
0x25: {  	v1 =	vld [tilespmem:s25+$0x0];
	v3 =	vadd.s32 $0x927C, v2  }
0x26: {  	v4 =	vadd.s32 $0x30D4, v2;
	[tilespmem:s26+$0xE00] =	vst v3  }
0x27: {  	v63 =	vadd.s32 $0x61A8, v2;
	[tilespmem:s26+$0x600] =	vst v4  }
0x28: {  	v3 =	vadd.s32 $0x493E, v2;
	[tilespmem:s26+$0xA00] =	vst v63  }
0x29: {  	s28 =	simm.s32 $0x80;
	v2 =	vadd.s32 $0x7A12, v2;
	[tilespmem:s26+$0x800] =	vst v3  }
.LBB2_4:
0x2a: {  	s29 =	sshra.s32 s28, $0x2;
	p0 =	sne.s32 s28, $0x7C0;
	s28 =	sadd.s32 $0x40, s28;
	v3 =	vshra.s32 v1, $0x4;
	[tilespmem:s26+$0xC00] =	vst v2  }
.Ltmp1:
0x2b: {  	s26 =	smov.u32 s25;
	v1 =	vld [tilespmem:s29+$0x0];
	v4 =	vadd.s32 $0x30D4, v3;
	v5 =	vadd.s32 $0x493E, v3;
	v6 =	vadd.s32 $0x927C, v3;
	s25 =	smov.u32 s29;
	(pc) =	sbr.rel @p0 .LBB2_4-.Ltmp1, $4  }
0x2c: {  	v7 =	vadd.s32 $0x61A8, v3;
	v2 =	vadd.s32 $0x7A12, v3;
	[tilespmem:s26+$0xE00] =	vst v6  }
0x2d: {  	[tilespmem:s26+$0x600] =	vst v4  }
0x2e: {  	[tilespmem:s26+$0x800] =	vst v5  }
0x2f: {  	[tilespmem:s26+$0xA00] =	vst v7  }
0x30: {  	v1 =	vshra.s32 v1, $0x4  }
0x31: {  	[tilespmem:s26+$0xC00] =	vst v2;
	v2 =	vadd.s32 $0x927C, v1  }
0x32: {  	v3 =	vadd.s32 $0x30D4, v1;
	[tilespmem:s25+$0xE00] =	vst v2  }
0x33: {  	v2 =	vadd.s32 $0x493E, v1;
	[tilespmem:s25+$0x600] =	vst v3  }
0x34: {  	v3 =	vadd.s32 $0x61A8, v1;
	[tilespmem:s25+$0x800] =	vst v2  }
0x35: {  	v1 =	vadd.s32 $0x7A12, v1;
	[tilespmem:s25+$0xA00] =	vst v3  }
0x36: {  	s0 =	simm.s32 $0x5000;
	[tilespmem:s25+$0xC00] =	vst v1  }
0x37: {  	[tilespmem:s0], [sflag:$0x2] =	stream.indirect.gather [hbm4b:s3+s15], $0x10, s18, s15, $0xb8;
	[tilespmem:$0x10000] =	vst v63  }
0x38: {  	s26 =	simm.s32 $0xA00  }
0x39: {  	[tilespmem:s21], [sflag:$0x3] =	stream.indirect.gather [hbm4b:s3+s18], $0x10, s26, s18, $0xb8;
	[tilespmem:$0x10000] =	vst v63  }
0x3a: {  	_ =	swait.ge [sflag:s22], $0x4000  }
0x3b: {  	[sflag:s22] =	ssyncset.done $0x0  }
0x3c: {  	s30 =	simm.s32 $0x0;
	[sflag:s22] =	ssyncadd.s32 $0xFFFFC000  }
0x3d: {  	v1 =	vld [tilespmem:s30+$0x0];
	_ =	sdelay $0x2  }
0x3e: {  	v2 =	vmov s30  }
0x3f: {  	v2 =	vshll.u32 v2, $0x4  }
0x40: {  	v2 =	vor.u32 v0, v2;
	v3 =	vand.u32 $0x8, v1  }
0x41: {  	v1 =	vand.u32 $0x7, v1;
	v2 =	vor.u32 v2, v3  }
0x42: {  	v2 =	vor.u32 v1, v2  }
0x43: {  	s31 =	simm.s32 $0x200  }
0x44: {  	v4 =	vmov s31  }
0x45: {  	v4 =	vshll.u32 v4, $0x4  }
0x46: {  	v4 =	vor.u32 v0, v4  }
0x47: {  	v3 =	vor.u32 v4, v3;
	v2 =	vld.idx.msk [tilespmem:v2+s17+$0x0], $0xffff  }
0x48: {  	v1 =	vor.u32 v1, v3;
	_ =	sdelay $0x2  }
0x49: {  	s25 =	simm.s32 $0xF200  }
0x4a: {  	[tilespmem:s25+$0xFFFFFE00] =	vst v2  }
0x4b: {  	v1 =	vld.idx.msk [tilespmem:v1+s17+$0x0], $0xffff;
	_ =	sdelay $0x4  }
0x4c: {  	s26 =	simm.s32 $0x10;
	[tilespmem:s25+$0x0] =	vst v1  }
0x4d: {  	s28 =	simm.s32 $0x20;
	s29 =	simm.s32 $0x10;
	v1 =	vld [tilespmem:s26+$0x0]  }
.LBB2_6:
0x4e: {  	p0 =	sne.s32 s28, $0x1F0  }
0x4f: {  	s30 =	sadd.s32 $0x200, s26  }
0x50: {  	v2 =	vmov s26;
	s26 =	smov.u32 s28;
	v3 =	vmov s30  }
0x51: {  	v2 =	vshll.u32 v2, $0x4;
	v3 =	vshll.u32 v3, $0x4  }
0x52: {  	v2 =	vor.u32 v0, v2;
	v3 =	vor.u32 v0, v3;
	v4 =	vand.u32 $0x8, v1  }
0x53: {  	v1 =	vand.u32 $0x7, v1;
	v2 =	vor.u32 v2, v4;
	v3 =	vor.u32 v3, v4  }
0x54: {  	v2 =	vor.u32 v1, v2;
	v1 =	vor.u32 v1, v3;
	_ =	sdelay $0x4  }
0x55: {  	v2 =	vld.idx.msk [tilespmem:v2+s17+$0x0], $0xffff;
	_ =	sdelay $0x4  }
0x56: {  	s25 =	sadd.s32 $0x10, s25  }
0x57: {  	[tilespmem:s25+$0xFFFFFE00] =	vst v2  }
0x58: {  	v1 =	vld.idx.msk [tilespmem:v1+s17+$0x0], $0xffff;
	_ =	sdelay $0x2  }
.Ltmp2:
0x59: {  	(pc) =	sbr.rel @p0 .LBB2_6-.Ltmp2, $3  }
0x5a: {  	_ =	sdelay $0x1  }
0x5b: {  	s29 =	sadd.s32 $0x10, s29;
	[tilespmem:s25+$0x0] =	vst v1  }
0x5c: {  	s28 =	sadd.s32 $0x10, s28;
	v1 =	vld [tilespmem:s29+$0x0]  }
0x5d: {  	_ =	sdelay $0x1  }
0x5e: {  	v2 =	vmov s26  }
0x5f: {  	v2 =	vshll.u32 v2, $0x4  }
0x60: {  	v2 =	vor.u32 v0, v2;
	v3 =	vand.u32 $0x8, v1  }
0x61: {  	v1 =	vand.u32 $0x7, v1;
	v2 =	vor.u32 v2, v3  }
0x62: {  	v2 =	vor.u32 v1, v2  }
0x63: {  	s0 =	sadd.s32 $0x200, s26  }
0x64: {  	v4 =	vmov s0  }
0x65: {  	v4 =	vshll.u32 v4, $0x4  }
0x66: {  	v4 =	vor.u32 v0, v4  }
0x67: {  	v3 =	vor.u32 v4, v3;
	v2 =	vld.idx.msk [tilespmem:v2+s17+$0x0], $0xffff  }
0x68: {  	v1 =	vor.u32 v1, v3;
	_ =	sdelay $0x2  }
0x69: {  	s25 =	sadd.s32 $0x10, s25  }
0x6a: {  	[tilespmem:s25+$0xFFFFFE00] =	vst v2  }
0x6b: {  	v1 =	vld.idx.msk [tilespmem:v1+s17+$0x0], $0xffff;
	_ =	sdelay $0x4  }
0x6c: {  	[tilespmem:s25+$0x0] =	vst v1  }
0x6d: {  	_ =	swait.ge [sflag:s23], $0x4000  }
0x6e: {  	[sflag:s23] =	ssyncset.done $0x0  }
0x6f: {  	s26 =	simm.s32 $0x0;
	[sflag:s23] =	ssyncadd.s32 $0xFFFFC000  }
0x70: {  	v1 =	vld [tilespmem:s26+$0x0];
	_ =	sdelay $0x1  }
0x71: {  	s30 =	simm.s32 $0x400  }
0x72: {  	v2 =	vmov s30  }
0x73: {  	v2 =	vshll.u32 v2, $0x4  }
0x74: {  	v2 =	vor.u32 v0, v2;
	v3 =	vand.u32 $0x8, v1  }
0x75: {  	v1 =	vand.u32 $0x7, v1;
	v2 =	vor.u32 v2, v3  }
0x76: {  	v2 =	vor.u32 v1, v2  }
0x77: {  	s31 =	simm.s32 $0x600  }
0x78: {  	v63 =	vmov s31  }
0x79: {  	v4 =	vshll.u32 v63, $0x4  }
0x7a: {  	v4 =	vor.u32 v0, v4  }
0x7b: {  	v3 =	vor.u32 v4, v3;
	v2 =	vld.idx.msk [tilespmem:v2+s17+$0x0], $0xffff  }
0x7c: {  	v1 =	vor.u32 v1, v3;
	_ =	sdelay $0x2  }
0x7d: {  	s25 =	simm.s32 $0xF600  }
0x7e: {  	[tilespmem:s25+$0xFFFFFE00] =	vst v2  }
0x7f: {  	v1 =	vld.idx.msk [tilespmem:v1+s17+$0x0], $0xffff;
	_ =	sdelay $0x4  }
0x80: {  	s28 =	simm.s32 $0x10;
	[tilespmem:s25+$0x0] =	vst v1  }
0x81: {  	s29 =	simm.s32 $0x420;
	s26 =	simm.s32 $0x410;
	v1 =	vld [tilespmem:s28+$0x0]  }
.LBB2_8:
0x82: {  	p0 =	sne.s32 s29, $0x5F0  }
0x83: {  	s30 =	sadd.s32 $0x200, s26  }
0x84: {  	v2 =	vmov s26;
	s26 =	smov.u32 s29;
	v3 =	vmov s30  }
0x85: {  	v2 =	vshll.u32 v2, $0x4;
	v3 =	vshll.u32 v3, $0x4  }
0x86: {  	v2 =	vor.u32 v0, v2;
	v3 =	vor.u32 v0, v3;
	v4 =	vand.u32 $0x8, v1  }
0x87: {  	v1 =	vand.u32 $0x7, v1;
	v2 =	vor.u32 v2, v4;
	v3 =	vor.u32 v3, v4  }
0x88: {  	v2 =	vor.u32 v1, v2;
	v1 =	vor.u32 v1, v3;
	_ =	sdelay $0x4  }
0x89: {  	v2 =	vld.idx.msk [tilespmem:v2+s17+$0x0], $0xffff;
	_ =	sdelay $0x4  }
0x8a: {  	s25 =	sadd.s32 $0x10, s25  }
0x8b: {  	[tilespmem:s25+$0xFFFFFE00] =	vst v2  }
0x8c: {  	v1 =	vld.idx.msk [tilespmem:v1+s17+$0x0], $0xffff;
	_ =	sdelay $0x2  }
.Ltmp3:
0x8d: {  	(pc) =	sbr.rel @p0 .LBB2_8-.Ltmp3, $3  }
0x8e: {  	_ =	sdelay $0x1  }
0x8f: {  	s28 =	sadd.s32 $0x10, s28;
	[tilespmem:s25+$0x0] =	vst v1  }
0x90: {  	s29 =	sadd.s32 $0x10, s29;
	v1 =	vld [tilespmem:s28+$0x0]  }
0x91: {  	_ =	sdelay $0x1  }
0x92: {  	v2 =	vmov s26  }
0x93: {  	v2 =	vshll.u32 v2, $0x4  }
0x94: {  	v2 =	vor.u32 v0, v2;
	v3 =	vand.u32 $0x8, v1  }
0x95: {  	v1 =	vand.u32 $0x7, v1;
	v2 =	vor.u32 v2, v3  }
0x96: {  	v2 =	vor.u32 v1, v2  }
0x97: {  	s0 =	sadd.s32 $0x200, s26  }
0x98: {  	v4 =	vmov s0  }
0x99: {  	v4 =	vshll.u32 v4, $0x4  }
0x9a: {  	v4 =	vor.u32 v0, v4  }
0x9b: {  	v3 =	vor.u32 v4, v3;
	v2 =	vld.idx.msk [tilespmem:v2+s17+$0x0], $0xffff  }
0x9c: {  	v1 =	vor.u32 v1, v3;
	_ =	sdelay $0x2  }
0x9d: {  	s25 =	sadd.s32 $0x10, s25  }
0x9e: {  	[tilespmem:s25+$0xFFFFFE00] =	vst v2  }
0x9f: {  	v1 =	vld.idx.msk [tilespmem:v1+s17+$0x0], $0xffff;
	_ =	sdelay $0x4  }
0xa0: {  	[tilespmem:s25+$0x0] =	vst v1  }
0xa1: {  	_ =	swait.ge [sflag:s24], $0x6000  }
0xa2: {  	[sflag:s24] =	ssyncset.done $0x0  }
0xa3: {  	s25 =	simm.s32 $0x0;
	[sflag:s24] =	ssyncadd.s32 $0xFFFFA000  }
0xa4: {  	v1 =	vld [tilespmem:s25+$0x0];
	_ =	sdelay $0x2  }
0xa5: {  	v2 =	vmov s25  }
0xa6: {  	v2 =	vshll.u32 v2, $0x4  }
0xa7: {  	v2 =	vor.u32 v0, v2;
	v3 =	vand.u32 $0x8, v1  }
0xa8: {  	v1 =	vand.u32 $0x7, v1;
	v2 =	vor.u32 v2, v3  }
0xa9: {  	v2 =	vor.u32 v1, v2  }
0xaa: {  	s30 =	simm.s32 $0x200  }
0xab: {  	v63 =	vmov s30  }
0xac: {  	v4 =	vshll.u32 v63, $0x4  }
0xad: {  	v4 =	vor.u32 v0, v4  }
0xae: {  	v4 =	vor.u32 v4, v3;
	v2 =	vld.idx.msk [tilespmem:v2+s21+$0x0], $0xffff  }
0xaf: {  	v4 =	vor.u32 v1, v4  }
0xb0: {  	s31 =	simm.s32 $0x400  }
0xb1: {  	v5 =	vmov s31  }
0xb2: {  	s26 =	simm.s32 $0xFC00;
	v5 =	vshll.u32 v5, $0x4  }
0xb3: {  	v5 =	vor.u32 v0, v5;
	[tilespmem:s26+$0xFFFFFC00] =	vst v2  }
0xb4: {  	v2 =	vor.u32 v5, v3;
	v3 =	vld.idx.msk [tilespmem:v4+s21+$0x0], $0xffff  }
0xb5: {  	v1 =	vor.u32 v1, v2;
	_ =	sdelay $0x3  }
0xb6: {  	[tilespmem:s26+$0xFFFFFE00] =	vst v3  }
0xb7: {  	v1 =	vld.idx.msk [tilespmem:v1+s21+$0x0], $0xffff;
	_ =	sdelay $0x2  }
0xb8: {  	s29 =	simm.s32 $0x10;
	s28 =	simm.s32 $0xFC10  }
.LBB2_10:
0xb9: {  	s30 =	sadd.s32 $0x200, s29;
	s25 =	sadd.s32 $0x10, s25  }
0xba: {  	[tilespmem:s26+$0x0] =	vst v1;
	s31 =	smov.u32 s29;
	s0 =	sadd.s32 $0x10, s29;
	s26 =	smov.u32 s28  }
0xbb: {  	p0 =	sne.s32 s29, $0x1F0;
	v1 =	vld [tilespmem:s25+$0x0];
	v2 =	vmov s30  }
0xbc: {  	v2 =	vshll.u32 v2, $0x4;
	_ =	sdelay $0x1  }
0xbd: {  	v3 =	vmov s31;
	s29 =	sadd.s32 $0x400, s31  }
0xbe: {  	v3 =	vshll.u32 v3, $0x4;
	v4 =	vmov s29;
	v2 =	vor.u32 v0, v2  }
0xbf: {  	v3 =	vor.u32 v0, v3;
	v4 =	vshll.u32 v4, $0x4;
	v5 =	vand.u32 $0x8, v1  }
0xc0: {  	v1 =	vand.u32 $0x7, v1;
	v3 =	vor.u32 v3, v5;
	v2 =	vor.u32 v2, v5  }
0xc1: {  	v4 =	vor.u32 v0, v4;
	v3 =	vor.u32 v1, v3;
	v2 =	vor.u32 v1, v2  }
0xc2: {  	v4 =	vor.u32 v4, v5  }
0xc3: {  	v1 =	vor.u32 v1, v4;
	_ =	sdelay $0x2  }
0xc4: {  	v3 =	vld.idx.msk [tilespmem:v3+s21+$0x0], $0xffff;
	_ =	sdelay $0x5  }
0xc5: {  	[tilespmem:s28+$0xFFFFFC00] =	vst v3  }
0xc6: {  	v2 =	vld.idx.msk [tilespmem:v2+s21+$0x0], $0xffff;
	_ =	sdelay $0x5  }
0xc7: {  	[tilespmem:s28+$0xFFFFFE00] =	vst v2  }
0xc8: {  	v1 =	vld.idx.msk [tilespmem:v1+s21+$0x0], $0xffff  }
.Ltmp4:
0xc9: {  	(pc) =	sbr.rel @p0 .LBB2_10-.Ltmp4, $2  }
0xca: {  	_ =	sdelay $0x2  }
0xcb: {  	s29 =	smov.u32 s0;
	s28 =	sadd.s32 $0x10, s28  }
0xcc: {  	[tilespmem:s26+$0x0] =	vst v1;
	s0 =	simm.s32 $0xF000  }
0xcd: {  	[hbm4b:s5+s2] =	stream.linear.scatter [tilespmem:s0], [sflag:$0x4], $0x80, $0x38;
	[tilespmem:$0x10000] =	vst v63  }
0xce: {  	s29 =	sadd.s32 $0x10, s5;
	s25 =	simm.s32 $0xF200  }
0xcf: {  	[hbm4b:s29+s2] =	stream.linear.scatter [tilespmem:s25], [sflag:$0x4], $0x80, $0x38;
	[tilespmem:$0x10000] =	vst v63  }
0xd0: {  	s30 =	sadd.s32 $0x20, s5;
	s31 =	simm.s32 $0xF400  }
0xd1: {  	[hbm4b:s30+s2] =	stream.linear.scatter [tilespmem:s31], [sflag:$0x4], $0x80, $0x38;
	[tilespmem:$0x10000] =	vst v63  }
0xd2: {  	s26 =	sadd.s32 $0x30, s5;
	s28 =	simm.s32 $0xF600  }
0xd3: {  	[hbm4b:s26+s2] =	stream.linear.scatter [tilespmem:s28], [sflag:$0x4], $0x80, $0x38;
	[tilespmem:$0x10000] =	vst v63  }
0xd4: {  	_ =	swait.ge [sflag:s14], $0x200  }
0xd5: {  	[sflag:s14] =	ssyncset.done $0x0  }
0xd6: {  	s29 =	simm.s32 $0xF800;
	[sflag:s14] =	ssyncadd.s32 $0xFFFFFE00  }
0xd7: {  	[hbm4b:s6+s2] =	stream.linear.scatter [tilespmem:s29], [sflag:$0x4], $0x80, $0x38;
	[tilespmem:$0x10000] =	vst v63  }
0xd8: {  	s30 =	sadd.s32 $0x10, s6;
	s31 =	simm.s32 $0xFA00  }
0xd9: {  	[hbm4b:s30+s2] =	stream.linear.scatter [tilespmem:s31], [sflag:$0x4], $0x80, $0x38;
	[tilespmem:$0x10000] =	vst v63  }
0xda: {  	s26 =	sadd.s32 $0x20, s6;
	s28 =	simm.s32 $0xFC00  }
0xdb: {  	[hbm4b:s26+s2] =	stream.linear.scatter [tilespmem:s28], [sflag:$0x4], $0x80, $0x38;
	[tilespmem:$0x10000] =	vst v63  }
0xdc: {  	s29 =	sadd.s32 $0x30, s6;
	s30 =	simm.s32 $0xFE00  }
0xdd: {  	[hbm4b:s29+s2] =	stream.linear.scatter [tilespmem:s30], [sflag:$0x4], $0x80, $0x38;
	[tilespmem:$0x10000] =	vst v63  }
0xde: {  	_ =	swait.ge [sflag:s14], $0x200  }
0xdf: {  	[sflag:s14] =	ssyncset.done $0x0  }
0xe0: {  	s31 =	simm.s32 $0xF080;
	[sflag:s14] =	ssyncadd.s32 $0xFFFFFE00  }
0xe1: {  	[hbm4b:s7+s2] =	stream.linear.scatter [tilespmem:s31], [sflag:$0x4], $0x80, $0x38;
	[tilespmem:$0x10000] =	vst v63  }
0xe2: {  	s25 =	sadd.s32 $0x10, s7;
	s26 =	simm.s32 $0xF280  }
0xe3: {  	[hbm4b:s25+s2] =	stream.linear.scatter [tilespmem:s26], [sflag:$0x4], $0x80, $0x38;
	[tilespmem:$0x10000] =	vst v63  }
0xe4: {  	s28 =	sadd.s32 $0x20, s7;
	s29 =	simm.s32 $0xF480  }
0xe5: {  	[hbm4b:s28+s2] =	stream.linear.scatter [tilespmem:s29], [sflag:$0x4], $0x80, $0x38;
	[tilespmem:$0x10000] =	vst v63  }
0xe6: {  	s30 =	sadd.s32 $0x30, s7;
	s31 =	simm.s32 $0xF680  }
0xe7: {  	[hbm4b:s30+s2] =	stream.linear.scatter [tilespmem:s31], [sflag:$0x4], $0x80, $0x38;
	[tilespmem:$0x10000] =	vst v63  }
0xe8: {  	_ =	swait.ge [sflag:s14], $0x200  }
0xe9: {  	[sflag:s14] =	ssyncset.done $0x0  }
0xea: {  	s26 =	simm.s32 $0xF880;
	[sflag:s14] =	ssyncadd.s32 $0xFFFFFE00  }
0xeb: {  	[hbm4b:s8+s2] =	stream.linear.scatter [tilespmem:s26], [sflag:$0x4], $0x80, $0x38;
	[tilespmem:$0x10000] =	vst v63  }
0xec: {  	s28 =	sadd.s32 $0x10, s8;
	s29 =	simm.s32 $0xFA80  }
0xed: {  	[hbm4b:s28+s2] =	stream.linear.scatter [tilespmem:s29], [sflag:$0x4], $0x80, $0x38;
	[tilespmem:$0x10000] =	vst v63  }
0xee: {  	s30 =	sadd.s32 $0x20, s8;
	s31 =	simm.s32 $0xFC80  }
0xef: {  	[hbm4b:s30+s2] =	stream.linear.scatter [tilespmem:s31], [sflag:$0x4], $0x80, $0x38;
	[tilespmem:$0x10000] =	vst v63  }
0xf0: {  	s26 =	sadd.s32 $0x30, s8;
	s28 =	simm.s32 $0xFE80  }
0xf1: {  	[hbm4b:s26+s2] =	stream.linear.scatter [tilespmem:s28], [sflag:$0x4], $0x80, $0x38;
	[tilespmem:$0x10000] =	vst v63  }
0xf2: {  	_ =	swait.ge [sflag:s14], $0x200  }
0xf3: {  	[sflag:s14] =	ssyncset.done $0x0  }
0xf4: {  	s29 =	simm.s32 $0xF100;
	[sflag:s14] =	ssyncadd.s32 $0xFFFFFE00  }
0xf5: {  	[hbm4b:s9+s2] =	stream.linear.scatter [tilespmem:s29], [sflag:$0x4], $0x80, $0x38;
	[tilespmem:$0x10000] =	vst v63  }
0xf6: {  	s30 =	sadd.s32 $0x10, s9;
	s31 =	simm.s32 $0xF300  }
0xf7: {  	[hbm4b:s30+s2] =	stream.linear.scatter [tilespmem:s31], [sflag:$0x4], $0x80, $0x38;
	[tilespmem:$0x10000] =	vst v63  }
0xf8: {  	s26 =	sadd.s32 $0x20, s9;
	s28 =	simm.s32 $0xF500  }
0xf9: {  	[hbm4b:s26+s2] =	stream.linear.scatter [tilespmem:s28], [sflag:$0x4], $0x80, $0x38;
	[tilespmem:$0x10000] =	vst v63  }
0xfa: {  	s29 =	sadd.s32 $0x30, s9;
	s30 =	simm.s32 $0xF700  }
0xfb: {  	[hbm4b:s29+s2] =	stream.linear.scatter [tilespmem:s30], [sflag:$0x4], $0x80, $0x38;
	[tilespmem:$0x10000] =	vst v63  }
0xfc: {  	_ =	swait.ge [sflag:s14], $0x200  }
0xfd: {  	[sflag:s14] =	ssyncset.done $0x0  }
0xfe: {  	s31 =	simm.s32 $0xF900;
	[sflag:s14] =	ssyncadd.s32 $0xFFFFFE00  }
0xff: {  	[hbm4b:s10+s2] =	stream.linear.scatter [tilespmem:s31], [sflag:$0x4], $0x80, $0x38;
	[tilespmem:$0x10000] =	vst v63  }
0x100: {  	s25 =	sadd.s32 $0x10, s10;
	s26 =	simm.s32 $0xFB00  }
0x101: {  	[hbm4b:s25+s2] =	stream.linear.scatter [tilespmem:s26], [sflag:$0x4], $0x80, $0x38;
	[tilespmem:$0x10000] =	vst v63  }
0x102: {  	s28 =	sadd.s32 $0x20, s10;
	s29 =	simm.s32 $0xFD00  }
0x103: {  	[hbm4b:s28+s2] =	stream.linear.scatter [tilespmem:s29], [sflag:$0x4], $0x80, $0x38;
	[tilespmem:$0x10000] =	vst v63  }
0x104: {  	s30 =	sadd.s32 $0x30, s10;
	s31 =	simm.s32 $0xFF00  }
0x105: {  	[hbm4b:s30+s2] =	stream.linear.scatter [tilespmem:s31], [sflag:$0x4], $0x80, $0x38;
	[tilespmem:$0x10000] =	vst v63  }
0x106: {  	_ =	swait.ge [sflag:s14], $0x200  }
0x107: {  	[sflag:s14] =	ssyncset.done $0x0  }
0x108: {  	s26 =	simm.s32 $0xF180;
	[sflag:s14] =	ssyncadd.s32 $0xFFFFFE00  }
0x109: {  	[hbm4b:s11+s2] =	stream.linear.scatter [tilespmem:s26], [sflag:$0x4], $0x80, $0x38;
	[tilespmem:$0x10000] =	vst v63  }
0x10a: {  	s28 =	sadd.s32 $0x10, s11;
	s29 =	simm.s32 $0xF380  }
0x10b: {  	[hbm4b:s28+s2] =	stream.linear.scatter [tilespmem:s29], [sflag:$0x4], $0x80, $0x38;
	[tilespmem:$0x10000] =	vst v63  }
0x10c: {  	s30 =	sadd.s32 $0x20, s11;
	s31 =	simm.s32 $0xF580  }
0x10d: {  	[hbm4b:s30+s2] =	stream.linear.scatter [tilespmem:s31], [sflag:$0x4], $0x80, $0x38;
	[tilespmem:$0x10000] =	vst v63  }
0x10e: {  	s25 =	sadd.s32 $0x30, s11;
	s26 =	simm.s32 $0xF780  }
0x10f: {  	[hbm4b:s25+s2] =	stream.linear.scatter [tilespmem:s26], [sflag:$0x4], $0x80, $0x38;
	[tilespmem:$0x10000] =	vst v63  }
0x110: {  	_ =	swait.ge [sflag:s14], $0x200  }
0x111: {  	[sflag:s14] =	ssyncset.done $0x0  }
0x112: {  	s28 =	simm.s32 $0xF980;
	[sflag:s14] =	ssyncadd.s32 $0xFFFFFE00  }
0x113: {  	[hbm4b:s12+s2] =	stream.linear.scatter [tilespmem:s28], [sflag:$0x4], $0x80, $0x38;
	[tilespmem:$0x10000] =	vst v63  }
0x114: {  	s20 =	sadd.s32 $0x1, s20;
	s29 =	sadd.s32 $0x10, s12  }
0x115: {  	[hbm4b:s29+s2] =	stream.linear.scatter [tilespmem:s1], [sflag:$0x4], $0x80, $0x38;
	[tilespmem:$0x10000] =	vst v63  }
0x116: {  	p0 =	sne.s32 s20, s13;
	s30 =	sadd.s32 $0x20, s12  }
0x117: {  	[hbm4b:s30+s2] =	stream.linear.scatter [tilespmem:s16], [sflag:$0x4], $0x80, $0x38;
	[tilespmem:$0x10000] =	vst v63  }
.Ltmp5:
0x118: {  	s31 =	sadd.s32 $0x30, s12;
	(pc) =	sbr.rel @p0 .LBB2_1-.Ltmp5, $4  }
0x119: {  	[hbm4b:s31+s2] =	stream.linear.scatter [tilespmem:s19], [sflag:$0x4], $0x80, $0x38;
	[tilespmem:$0x10000] =	vst v63  }
0x11a: {  	_ =	swait.ge [sflag:s14], $0x200  }
0x11b: {  	[sflag:s14] =	ssyncset.done $0x0  }
0x11c: {  	[sflag:s14] =	ssyncadd.s32 $0xFFFFFE00  }
0x11d: {  	_ =	sfence.sel $0x180000  }
0x11e: {  	[bflag:$0x0] =	sbarrier.arrive $0xFFFF  }
0x11f: {  	_ =	strace $0x90000047  }
0x120: {  	s0 =	stileid.u32;
	[bflag:$0x2] =	sbarrier.arrive $0xFFFF  }
0x121: {  	p0 =	sne.s32 s0, $0x0;
	s0 =	rddreg [dreg:$0x4]  }
0x122: {  	s0 =	sadd.s32 @!p0 $0x100000, s0  }
0x123: {  	[sflag:s0] =	ssyncadd.tile.s32 @!p0 $0x1;
	_ =	shalt  }
.Lfunc_end2:
_tile_overlayer_lowered:
.L_overlay_start_2:
0x124: {  	(tag) =	ssettag $0x2  }
0x125: {  	s0 =	rddreg [dreg:$0x0];
	s2 =	stileid.u32  }
0x126: {  	s1 =	rddreg [dreg:$0x1];
	p0 =	sne.s32 s2, $0x0  }
0x127: {  	s3 =	rddreg [dreg:$0x2];
	[bflag:$0x3] =	sbarrier.arrive $0xFFFF;
	s2 =	simm.s32 @!p0 $0x1C04  }
0x128: {  	[timem:s3], [sflag:s2] =	dma.local @!p0 [hbm:s0], s1  }
0x129: {  	s0 =	simm.s32 @!p0 $0x4  }
0x12a: {  	_ =	swait.ge @!p0 [sflag:s0], s1  }
0x12b: {  	s1 =	ssub.s32 @!p0 $0x0, s1;
	[sflag:s0] =	ssyncset.done @!p0 $0x0  }
0x12c: {  	[sflag:s0] =	ssyncadd.s32 @!p0 s1  }
0x12d: {  	[bflag:$0x3] =	sbarrier.arrive $0xFFFF  }
0x12e: {  	_ =	shalt  }

</sc_bundles>
